<compile_context>
chip_gen: v7x
topology: tpu7x:2x2x1
jax: 0.10.2.dev20260603
libtpu: 0.0.44.dev20260713+nightly
codegen_flags: <defaults>
</compile_context>

<pallas_src>
import functools

import jax
import jax.numpy as jnp
from jax import lax
from jax.experimental import pallas as pl
from jax.experimental.pallas import tpu as pltpu
from jax.experimental.pallas import tpu_sc as plsc

N_ROWS = 50000
D = 256
N_TOTAL = N_ROWS * D
NC = 2
NS = 16
NW = NC * NS
L = 16
VPR = D // L

R_SC = 10240
R_TC = N_ROWS - R_SC
ROWS_W = R_SC // NW
CH_ROWS = 160
NCH = ROWS_W // CH_ROWS
B_TC = 3976
N_STR = 2
G_TC = R_TC // B_TC // N_STR
SUBL = B_TC // 8


def _row_block(buf, r, vmax, vmin, vsum, vsq):
    for c in range(VPR):
        v = buf[r, pl.ds(c * L, L)]
        vmax = jnp.maximum(vmax, v)
        vmin = jnp.minimum(vmin, v)
        vsum = vsum + v
        vsq = vsq + v * v
    return vmax, vmin, vsum, vsq


def _sc_partials(x):
    mesh = plsc.VectorSubcoreMesh(core_axis_name="c", subcore_axis_name="s")

    @functools.partial(
        pl.kernel,
        mesh=mesh,
        out_type=jax.ShapeDtypeStruct((NW, 4 * L), jnp.float32),
        scratch_types=[
            pltpu.VMEM((CH_ROWS, D), jnp.float32),
            pltpu.VMEM((CH_ROWS, D), jnp.float32),
            pltpu.VMEM((4 * L,), jnp.float32),
            pltpu.SemaphoreType.DMA,
            pltpu.SemaphoreType.DMA,
        ],
    )
    def k(x_hbm, out_hbm, buf0, buf1, acc_v, sem0, sem1):
        wid = lax.axis_index("s") * NC + lax.axis_index("c")
        base = R_TC + wid * ROWS_W
        bufs = (buf0, buf1)
        sems = (sem0, sem1)

        copies = [None, None]
        copies[0] = pltpu.async_copy(
            x_hbm.at[pl.ds(base, CH_ROWS), :], buf0, sem0
        )

        vmax = jnp.full((L,), -jnp.inf, jnp.float32)
        vmin = jnp.full((L,), jnp.inf, jnp.float32)
        vsum = jnp.zeros((L,), jnp.float32)
        vsq = jnp.zeros((L,), jnp.float32)

        for g in range(NCH):
            if g + 1 < NCH:
                copies[(g + 1) % 2] = pltpu.async_copy(
                    x_hbm.at[pl.ds(base + (g + 1) * CH_ROWS, CH_ROWS), :],
                    bufs[(g + 1) % 2],
                    sems[(g + 1) % 2],
                )
            copies[g % 2].wait()
            buf = bufs[g % 2]

            def body(r, carry, buf=buf):
                return _row_block(buf, r, *carry)

            vmax, vmin, vsum, vsq = lax.fori_loop(
                0, CH_ROWS, body, (vmax, vmin, vsum, vsq)
            )

        acc_v[pl.ds(0, L)] = vmax
        acc_v[pl.ds(L, L)] = vmin
        acc_v[pl.ds(2 * L, L)] = vsum
        acc_v[pl.ds(3 * L, L)] = vsq
        pltpu.sync_copy(acc_v, out_hbm.at[wid])

    return k(x)


def _tc_partials_kernel(*refs):
    x_refs = refs[:N_STR]
    o_ref = refs[N_STR]
    mx_ref, mn_ref, sm_ref, sq_ref = refs[N_STR + 1:]
    i = pl.program_id(0)

    @pl.when(i == 0)
    def _():
        mx_ref[...] = jnp.full((8, D), -jnp.inf, jnp.float32)
        mn_ref[...] = jnp.full((8, D), jnp.inf, jnp.float32)
        sm_ref[...] = jnp.zeros((8, D), jnp.float32)
        sq_ref[...] = jnp.zeros((8, D), jnp.float32)

    for ref in x_refs:
        blk = ref[...].reshape(SUBL, 8, D)
        mx_ref[...] = jnp.maximum(mx_ref[...], jnp.max(blk, axis=0))
        mn_ref[...] = jnp.minimum(mn_ref[...], jnp.min(blk, axis=0))
        sm_ref[...] = sm_ref[...] + jnp.sum(blk, axis=0)
        sq_ref[...] = sq_ref[...] + jnp.sum(blk * blk, axis=0)

    @pl.when(i == G_TC - 1)
    def _():
        o_ref[0:8, :] = mx_ref[...]
        o_ref[8:16, :] = mn_ref[...]
        o_ref[16:24, :] = sm_ref[...]
        o_ref[24:32, :] = sq_ref[...]


def _make_spec(s):
    return pl.BlockSpec((B_TC, D), lambda i, s=s: (s * G_TC + i, 0))


def _tc_partials(x):
    return pl.pallas_call(
        _tc_partials_kernel,
        grid=(G_TC,),
        in_specs=[_make_spec(s) for s in range(N_STR)],
        out_specs=pl.BlockSpec((32, D), lambda i: (0, 0)),
        out_shape=jax.ShapeDtypeStruct((32, D), jnp.float32),
        scratch_shapes=[
            pltpu.VMEM((8, D), jnp.float32),
            pltpu.VMEM((8, D), jnp.float32),
            pltpu.VMEM((8, D), jnp.float32),
            pltpu.VMEM((8, D), jnp.float32),
        ],
    )(*([x] * N_STR))


def _finalize_kernel(sc_ref, tc_ref, wt_ref, b_ref, o_ref):
    p = sc_ref[...]
    t = tc_ref[...]
    gmax = jnp.maximum(jnp.max(p[:, 0:L]), jnp.max(t[0:8, :]))
    gmin = jnp.minimum(jnp.min(p[:, L:2 * L]), jnp.min(t[8:16, :]))
    gsum = jnp.sum(p[:, 2 * L:3 * L]) + jnp.sum(t[16:24, :])
    gsq = jnp.sum(p[:, 3 * L:4 * L]) + jnp.sum(t[24:32, :])
    n = jnp.float32(N_TOTAL)
    mean = gsum / n
    var = gsq / n - mean * mean
    std = jnp.sqrt(jnp.maximum(var, 0.0))
    wt = wt_ref[...]
    out = (
        gmax * wt[0:1, :]
        + gmin * wt[1:2, :]
        + mean * wt[2:3, :]
        + std * wt[3:4, :]
        + b_ref[...]
    )
    o_ref[...] = out


def kernel(x, W, b):
    sc_part = _sc_partials(x)
    tc_part = _tc_partials(x)
    out = pl.pallas_call(
        _finalize_kernel,
        out_shape=jax.ShapeDtypeStruct((1, D), jnp.float32),
    )(sc_part, tc_part, W.T, b.reshape(1, D))
    return out.reshape(D)

# --- scband reference (transcript-rebuilt; emitter-appended) ---
"""Pipeline reference for scband-pna-8005819040030 (READ-ONLY COPY).

The authoritative reference and input builder live on the scoring server;
editing this copy changes nothing except your own understanding.
"""

import jax, jax.numpy as jnp
import numpy as np

N = 50000
D = 256
OUT = 256

def setup_inputs(seed: int = 0) -> dict:
    key = jax.random.key(seed)
    kx, kw, kb = jax.random.split(key, 3)
    x = jax.random.normal(kx, (N, D), dtype=jnp.float32)
    # equinox nn.Linear(4, OUT): weight [OUT, 4], bias [OUT]
    lim = 1.0 / np.sqrt(4.0)
    W = jax.random.uniform(kw, (OUT, 4), dtype=jnp.float32, minval=-lim, maxval=lim)
    b = jax.random.uniform(kb, (OUT,), dtype=jnp.float32, minval=-lim, maxval=lim)
    return {"x": x, "W": W, "b": b}

def reference(x, W, b):
    # Faithful translation of PNA.__call__: global max/min/mean/std aggregation
    # (original concatenates 0-d scalars -> a length-4 vector), then Linear(4, OUT).
    s = jnp.stack([x.max(), x.min(), x.mean(), x.std()])
    return W @ s + b

if __name__ == "__main__":
    import jax
    _d = setup_inputs()
    print(jax.jit(kernel)(*tuple(_d.values())))

</pallas_src>

<mosaic_0001>
#map = affine_map<(d0, d1) -> (0, 0)>
module attributes {stable_mosaic.version = 14 : i64} {
  func.func @k(%arg0: i32, %arg1: i32, %arg2: memref<50000x256xf32, #tpu.memory_space<hbm>>, %arg3: memref<32x64xf32, #tpu.memory_space<hbm>>, %arg4: memref<160x256xf32, #tpu.memory_space<vmem>>, %arg5: memref<160x256xf32, #tpu.memory_space<vmem>>, %arg6: memref<64xf32, #tpu.memory_space<vmem>>, %arg7: memref<!tpu.dma_semaphore, #tpu.memory_space<semaphore_mem>>, %arg8: memref<!tpu.dma_semaphore, #tpu.memory_space<semaphore_mem>>) attributes {dimension_semantics = [#tpu.dimension_semantics<core_parallel>, #tpu.dimension_semantics<subcore_parallel>], iteration_bounds = array<i64: 2, 16>, scalar_prefetch = 0 : i64, scratch_operands = 5 : i64, tpu.core_type = #tpu.core_type<sc_vector_subcore>, window_params = [{transform_indices = #map}, {transform_indices = #map}]} {
    %mul3A = arith.constant 2 : i32
    %mul3A_0 = arith.muli %arg1, %mul3A : i32
    %add3A = arith.addi %mul3A_0, %arg0 : i32
    %mul3A_1 = arith.constant 320 : i32
    %mul3A_2 = arith.muli %add3A, %mul3A_1 : i32
    %add3A_3 = arith.constant 39760 : i32
    %add3A_4 = arith.addi %add3A_3, %mul3A_2 : i32
    %dma_start3A = arith.constant 0 : i32
    %dma_start3A_5 = tpu.memref_slice %arg2[%add3A_4, %dma_start3A] : memref<50000x256xf32, #tpu.memory_space<hbm>> -> memref<160x256xf32, #tpu.memory_space<hbm>>
    %dma_start3A_6 = arith.constant 0 : i32
    %dma_start3A_7 = tpu.memref_slice %arg2[%add3A_4, %dma_start3A_6] : memref<50000x256xf32, #tpu.memory_space<hbm>> -> memref<160x256xf32, #tpu.memory_space<hbm>>
    tpu.enqueue_dma source(%dma_start3A_7 : memref<160x256xf32, #tpu.memory_space<hbm>>) target(%arg4 : memref<160x256xf32, #tpu.memory_space<vmem>>) target_semaphore(%arg7 : memref<!tpu.dma_semaphore, #tpu.memory_space<semaphore_mem>>)
    %broadcast_in_dim3A = arith.constant 0xFF800000 : f32
    %broadcast_in_dim3A_8 = vector.broadcast %broadcast_in_dim3A : f32 to vector<16xf32>
    %broadcast_in_dim3A_9 = arith.constant 0x7F800000 : f32
    %broadcast_in_dim3A_10 = vector.broadcast %broadcast_in_dim3A_9 : f32 to vector<16xf32>
    %broadcast_in_dim3A_11 = arith.constant 0.000000e+00 : f32
    %broadcast_in_dim3A_12 = vector.broadcast %broadcast_in_dim3A_11 : f32 to vector<16xf32>
    %broadcast_in_dim3A_13 = arith.constant 0.000000e+00 : f32
    %broadcast_in_dim3A_14 = vector.broadcast %broadcast_in_dim3A_13 : f32 to vector<16xf32>
    %add3A_15 = arith.constant 160 : i32
    %add3A_16 = arith.addi %add3A_4, %add3A_15 : i32
    %dma_start3A_17 = arith.constant 0 : i32
    %dma_start3A_18 = tpu.memref_slice %arg2[%add3A_16, %dma_start3A_17] : memref<50000x256xf32, #tpu.memory_space<hbm>> -> memref<160x256xf32, #tpu.memory_space<hbm>>
    %dma_start3A_19 = arith.constant 0 : i32
    %dma_start3A_20 = tpu.memref_slice %arg2[%add3A_16, %dma_start3A_19] : memref<50000x256xf32, #tpu.memory_space<hbm>> -> memref<160x256xf32, #tpu.memory_space<hbm>>
    tpu.enqueue_dma source(%dma_start3A_20 : memref<160x256xf32, #tpu.memory_space<hbm>>) target(%arg5 : memref<160x256xf32, #tpu.memory_space<vmem>>) target_semaphore(%arg8 : memref<!tpu.dma_semaphore, #tpu.memory_space<semaphore_mem>>)
    %dma_wait3A = arith.constant 0 : i32
    %dma_wait3A_21 = tpu.memref_slice %arg2[%add3A_4, %dma_wait3A] : memref<50000x256xf32, #tpu.memory_space<hbm>> -> memref<160x256xf32, #tpu.memory_space<hbm>>
    %dma_wait3A_22 = arith.constant 0 : i32
    %dma_wait3A_23 = tpu.memref_slice %arg2[%add3A_4, %dma_wait3A_22] : memref<50000x256xf32, #tpu.memory_space<hbm>> -> memref<160x256xf32, #tpu.memory_space<hbm>>
    tpu.wait_dma2 semaphore(%arg7 : memref<!tpu.dma_semaphore, #tpu.memory_space<semaphore_mem>>) src(%dma_wait3A_23 : memref<160x256xf32, #tpu.memory_space<hbm>>) dst(%arg4 : memref<160x256xf32, #tpu.memory_space<vmem>>)
    %scan3A = arith.constant 0 : i32
    %scan3A_24 = arith.constant 160 : i32
    %scan3A_25 = arith.addi %scan3A, %scan3A_24 : i32
    %scan3A_26 = arith.constant 1 : i32
    %scan3A_27:4 = scf.for %scan3A_54 = %scan3A to %scan3A_25 step %scan3A_26 iter_args(%scan3A_55 = %broadcast_in_dim3A_8, %scan3A_56 = %broadcast_in_dim3A_10, %scan3A_57 = %broadcast_in_dim3A_12, %scan3A_58 = %broadcast_in_dim3A_14) -> (vector<16xf32>, vector<16xf32>, vector<16xf32>, vector<16xf32>)  : i32 {
      %get3A = arith.index_cast %scan3A_54 : i32 to index
      %get3A_59 = arith.constant 0 : index
      %get3A_60 = tpu.vector_load %arg4[%get3A, %get3A_59] {strides = array<i32>} : memref<160x256xf32, #tpu.memory_space<vmem>>, vector<1x16xf32>,
      %get3A_61 = vector.shape_cast %get3A_60 : vector<1x16xf32> to vector<16xf32>
      %max3A = arith.maximumf %scan3A_55, %get3A_61 : vector<16xf32>
      %min3A = arith.minimumf %scan3A_56, %get3A_61 : vector<16xf32>
      %add3A_62 = arith.addf %scan3A_57, %get3A_61 : vector<16xf32>
      %mul3A_63 = arith.mulf %get3A_61, %get3A_61 : vector<16xf32>
      %add3A_64 = arith.addf %scan3A_58, %mul3A_63 : vector<16xf32>
      %get3A_65 = arith.index_cast %scan3A_54 : i32 to index
      %get3A_66 = arith.constant 16 : index
      %get3A_67 = tpu.vector_load %arg4[%get3A_65, %get3A_66] {strides = array<i32>} : memref<160x256xf32, #tpu.memory_space<vmem>>, vector<1x16xf32>,
      %get3A_68 = vector.shape_cast %get3A_67 : vector<1x16xf32> to vector<16xf32>
      %max3A_69 = arith.maximumf %max3A, %get3A_68 : vector<16xf32>
      %min3A_70 = arith.minimumf %min3A, %get3A_68 : vector<16xf32>
      %add3A_71 = arith.addf %add3A_62, %get3A_68 : vector<16xf32>
      %mul3A_72 = arith.mulf %get3A_68, %get3A_68 : vector<16xf32>
      %add3A_73 = arith.addf %add3A_64, %mul3A_72 : vector<16xf32>
      %get3A_74 = arith.index_cast %scan3A_54 : i32 to index
      %get3A_75 = arith.constant 32 : index
      %get3A_76 = tpu.vector_load %arg4[%get3A_74, %get3A_75] {strides = array<i32>} : memref<160x256xf32, #tpu.memory_space<vmem>>, vector<1x16xf32>,
      %get3A_77 = vector.shape_cast %get3A_76 : vector<1x16xf32> to vector<16xf32>
      %max3A_78 = arith.maximumf %max3A_69, %get3A_77 : vector<16xf32>
      %min3A_79 = arith.minimumf %min3A_70, %get3A_77 : vector<16xf32>
      %add3A_80 = arith.addf %add3A_71, %get3A_77 : vector<16xf32>
      %mul3A_81 = arith.mulf %get3A_77, %get3A_77 : vector<16xf32>
      %add3A_82 = arith.addf %add3A_73, %mul3A_81 : vector<16xf32>
      %get3A_83 = arith.index_cast %scan3A_54 : i32 to index
      %get3A_84 = arith.constant 48 : index
      %get3A_85 = tpu.vector_load %arg4[%get3A_83, %get3A_84] {strides = array<i32>} : memref<160x256xf32, #tpu.memory_space<vmem>>, vector<1x16xf32>,
      %get3A_86 = vector.shape_cast %get3A_85 : vector<1x16xf32> to vector<16xf32>
      %max3A_87 = arith.maximumf %max3A_78, %get3A_86 : vector<16xf32>
      %min3A_88 = arith.minimumf %min3A_79, %get3A_86 : vector<16xf32>
      %add3A_89 = arith.addf %add3A_80, %get3A_86 : vector<16xf32>
      %mul3A_90 = arith.mulf %get3A_86, %get3A_86 : vector<16xf32>
      %add3A_91 = arith.addf %add3A_82, %mul3A_90 : vector<16xf32>
      %get3A_92 = arith.index_cast %scan3A_54 : i32 to index
      %get3A_93 = arith.constant 64 : index
      %get3A_94 = tpu.vector_load %arg4[%get3A_92, %get3A_93] {strides = array<i32>} : memref<160x256xf32, #tpu.memory_space<vmem>>, vector<1x16xf32>,
      %get3A_95 = vector.shape_cast %get3A_94 : vector<1x16xf32> to vector<16xf32>
      %max3A_96 = arith.maximumf %max3A_87, %get3A_95 : vector<16xf32>
      %min3A_97 = arith.minimumf %min3A_88, %get3A_95 : vector<16xf32>
      %add3A_98 = arith.addf %add3A_89, %get3A_95 : vector<16xf32>
      %mul3A_99 = arith.mulf %get3A_95, %get3A_95 : vector<16xf32>
      %add3A_100 = arith.addf %add3A_91, %mul3A_99 : vector<16xf32>
      %get3A_101 = arith.index_cast %scan3A_54 : i32 to index
      %get3A_102 = arith.constant 80 : index
      %get3A_103 = tpu.vector_load %arg4[%get3A_101, %get3A_102] {strides = array<i32>} : memref<160x256xf32, #tpu.memory_space<vmem>>, vector<1x16xf32>,
      %get3A_104 = vector.shape_cast %get3A_103 : vector<1x16xf32> to vector<16xf32>
      %max3A_105 = arith.maximumf %max3A_96, %get3A_104 : vector<16xf32>
      %min3A_106 = arith.minimumf %min3A_97, %get3A_104 : vector<16xf32>
      %add3A_107 = arith.addf %add3A_98, %get3A_104 : vector<16xf32>
      %mul3A_108 = arith.mulf %get3A_104, %get3A_104 : vector<16xf32>
      %add3A_109 = arith.addf %add3A_100, %mul3A_108 : vector<16xf32>
      %get3A_110 = arith.index_cast %scan3A_54 : i32 to index
      %get3A_111 = arith.constant 96 : index
      %get3A_112 = tpu.vector_load %arg4[%get3A_110, %get3A_111] {strides = array<i32>} : memref<160x256xf32, #tpu.memory_space<vmem>>, vector<1x16xf32>,
      %get3A_113 = vector.shape_cast %get3A_112 : vector<1x16xf32> to vector<16xf32>
      %max3A_114 = arith.maximumf %max3A_105, %get3A_113 : vector<16xf32>
      %min3A_115 = arith.minimumf %min3A_106, %get3A_113 : vector<16xf32>
      %add3A_116 = arith.addf %add3A_107, %get3A_113 : vector<16xf32>
      %mul3A_117 = arith.mulf %get3A_113, %get3A_113 : vector<16xf32>
      %add3A_118 = arith.addf %add3A_109, %mul3A_117 : vector<16xf32>
      %get3A_119 = arith.index_cast %scan3A_54 : i32 to index
      %get3A_120 = arith.constant 112 : index
      %get3A_121 = tpu.vector_load %arg4[%get3A_119, %get3A_120] {strides = array<i32>} : memref<160x256xf32, #tpu.memory_space<vmem>>, vector<1x16xf32>,
      %get3A_122 = vector.shape_cast %get3A_121 : vector<1x16xf32> to vector<16xf32>
      %max3A_123 = arith.maximumf %max3A_114, %get3A_122 : vector<16xf32>
      %min3A_124 = arith.minimumf %min3A_115, %get3A_122 : vector<16xf32>
      %add3A_125 = arith.addf %add3A_116, %get3A_122 : vector<16xf32>
      %mul3A_126 = arith.mulf %get3A_122, %get3A_122 : vector<16xf32>
      %add3A_127 = arith.addf %add3A_118, %mul3A_126 : vector<16xf32>
      %get3A_128 = arith.index_cast %scan3A_54 : i32 to index
      %get3A_129 = arith.constant 128 : index
      %get3A_130 = tpu.vector_load %arg4[%get3A_128, %get3A_129] {strides = array<i32>} : memref<160x256xf32, #tpu.memory_space<vmem>>, vector<1x16xf32>,
      %get3A_131 = vector.shape_cast %get3A_130 : vector<1x16xf32> to vector<16xf32>
      %max3A_132 = arith.maximumf %max3A_123, %get3A_131 : vector<16xf32>
      %min3A_133 = arith.minimumf %min3A_124, %get3A_131 : vector<16xf32>
      %add3A_134 = arith.addf %add3A_125, %get3A_131 : vector<16xf32>
      %mul3A_135 = arith.mulf %get3A_131, %get3A_131 : vector<16xf32>
      %add3A_136 = arith.addf %add3A_127, %mul3A_135 : vector<16xf32>
      %get3A_137 = arith.index_cast %scan3A_54 : i32 to index
      %get3A_138 = arith.constant 144 : index
      %get3A_139 = tpu.vector_load %arg4[%get3A_137, %get3A_138] {strides = array<i32>} : memref<160x256xf32, #tpu.memory_space<vmem>>, vector<1x16xf32>,
      %get3A_140 = vector.shape_cast %get3A_139 : vector<1x16xf32> to vector<16xf32>
      %max3A_141 = arith.maximumf %max3A_132, %get3A_140 : vector<16xf32>
      %min3A_142 = arith.minimumf %min3A_133, %get3A_140 : vector<16xf32>
      %add3A_143 = arith.addf %add3A_134, %get3A_140 : vector<16xf32>
      %mul3A_144 = arith.mulf %get3A_140, %get3A_140 : vector<16xf32>
      %add3A_145 = arith.addf %add3A_136, %mul3A_144 : vector<16xf32>
      %get3A_146 = arith.index_cast %scan3A_54 : i32 to index
      %get3A_147 = arith.constant 160 : index
      %get3A_148 = tpu.vector_load %arg4[%get3A_146, %get3A_147] {strides = array<i32>} : memref<160x256xf32, #tpu.memory_space<vmem>>, vector<1x16xf32>,
      %get3A_149 = vector.shape_cast %get3A_148 : vector<1x16xf32> to vector<16xf32>
      %max3A_150 = arith.maximumf %max3A_141, %get3A_149 : vector<16xf32>
      %min3A_151 = arith.minimumf %min3A_142, %get3A_149 : vector<16xf32>
      %add3A_152 = arith.addf %add3A_143, %get3A_149 : vector<16xf32>
      %mul3A_153 = arith.mulf %get3A_149, %get3A_149 : vector<16xf32>
      %add3A_154 = arith.addf %add3A_145, %mul3A_153 : vector<16xf32>
      %get3A_155 = arith.index_cast %scan3A_54 : i32 to index
      %get3A_156 = arith.constant 176 : index
      %get3A_157 = tpu.vector_load %arg4[%get3A_155, %get3A_156] {strides = array<i32>} : memref<160x256xf32, #tpu.memory_space<vmem>>, vector<1x16xf32>,
      %get3A_158 = vector.shape_cast %get3A_157 : vector<1x16xf32> to vector<16xf32>
      %max3A_159 = arith.maximumf %max3A_150, %get3A_158 : vector<16xf32>
      %min3A_160 = arith.minimumf %min3A_151, %get3A_158 : vector<16xf32>
      %add3A_161 = arith.addf %add3A_152, %get3A_158 : vector<16xf32>
      %mul3A_162 = arith.mulf %get3A_158, %get3A_158 : vector<16xf32>
      %add3A_163 = arith.addf %add3A_154, %mul3A_162 : vector<16xf32>
      %get3A_164 = arith.index_cast %scan3A_54 : i32 to index
      %get3A_165 = arith.constant 192 : index
      %get3A_166 = tpu.vector_load %arg4[%get3A_164, %get3A_165] {strides = array<i32>} : memref<160x256xf32, #tpu.memory_space<vmem>>, vector<1x16xf32>,
      %get3A_167 = vector.shape_cast %get3A_166 : vector<1x16xf32> to vector<16xf32>
      %max3A_168 = arith.maximumf %max3A_159, %get3A_167 : vector<16xf32>
      %min3A_169 = arith.minimumf %min3A_160, %get3A_167 : vector<16xf32>
      %add3A_170 = arith.addf %add3A_161, %get3A_167 : vector<16xf32>
      %mul3A_171 = arith.mulf %get3A_167, %get3A_167 : vector<16xf32>
      %add3A_172 = arith.addf %add3A_163, %mul3A_171 : vector<16xf32>
      %get3A_173 = arith.index_cast %scan3A_54 : i32 to index
      %get3A_174 = arith.constant 208 : index
      %get3A_175 = tpu.vector_load %arg4[%get3A_173, %get3A_174] {strides = array<i32>} : memref<160x256xf32, #tpu.memory_space<vmem>>, vector<1x16xf32>,
      %get3A_176 = vector.shape_cast %get3A_175 : vector<1x16xf32> to vector<16xf32>
      %max3A_177 = arith.maximumf %max3A_168, %get3A_176 : vector<16xf32>
      %min3A_178 = arith.minimumf %min3A_169, %get3A_176 : vector<16xf32>
      %add3A_179 = arith.addf %add3A_170, %get3A_176 : vector<16xf32>
      %mul3A_180 = arith.mulf %get3A_176, %get3A_176 : vector<16xf32>
      %add3A_181 = arith.addf %add3A_172, %mul3A_180 : vector<16xf32>
      %get3A_182 = arith.index_cast %scan3A_54 : i32 to index
      %get3A_183 = arith.constant 224 : index
      %get3A_184 = tpu.vector_load %arg4[%get3A_182, %get3A_183] {strides = array<i32>} : memref<160x256xf32, #tpu.memory_space<vmem>>, vector<1x16xf32>,
      %get3A_185 = vector.shape_cast %get3A_184 : vector<1x16xf32> to vector<16xf32>
      %max3A_186 = arith.maximumf %max3A_177, %get3A_185 : vector<16xf32>
      %min3A_187 = arith.minimumf %min3A_178, %get3A_185 : vector<16xf32>
      %add3A_188 = arith.addf %add3A_179, %get3A_185 : vector<16xf32>
      %mul3A_189 = arith.mulf %get3A_185, %get3A_185 : vector<16xf32>
      %add3A_190 = arith.addf %add3A_181, %mul3A_189 : vector<16xf32>
      %get3A_191 = arith.index_cast %scan3A_54 : i32 to index
      %get3A_192 = arith.constant 240 : index
      %get3A_193 = tpu.vector_load %arg4[%get3A_191, %get3A_192] {strides = array<i32>} : memref<160x256xf32, #tpu.memory_space<vmem>>, vector<1x16xf32>,
      %get3A_194 = vector.shape_cast %get3A_193 : vector<1x16xf32> to vector<16xf32>
      %max3A_195 = arith.maximumf %max3A_186, %get3A_194 : vector<16xf32>
      %min3A_196 = arith.minimumf %min3A_187, %get3A_194 : vector<16xf32>
      %add3A_197 = arith.addf %add3A_188, %get3A_194 : vector<16xf32>
      %mul3A_198 = arith.mulf %get3A_194, %get3A_194 : vector<16xf32>
      %add3A_199 = arith.addf %add3A_190, %mul3A_198 : vector<16xf32>
      scf.yield %max3A_195, %min3A_196, %add3A_197, %add3A_199 : vector<16xf32>, vector<16xf32>, vector<16xf32>, vector<16xf32>
    }
    %scan3A_28 = arith.constant 160 : i32
    %dma_wait3A_29 = arith.constant 0 : i32
    %dma_wait3A_30 = tpu.memref_slice %arg2[%add3A_16, %dma_wait3A_29] : memref<50000x256xf32, #tpu.memory_space<hbm>> -> memref<160x256xf32, #tpu.memory_space<hbm>>
    %dma_wait3A_31 = arith.constant 0 : i32
    %dma_wait3A_32 = tpu.memref_slice %arg2[%add3A_16, %dma_wait3A_31] : memref<50000x256xf32, #tpu.memory_space<hbm>> -> memref<160x256xf32, #tpu.memory_space<hbm>>
    tpu.wait_dma2 semaphore(%arg8 : memref<!tpu.dma_semaphore, #tpu.memory_space<semaphore_mem>>) src(%dma_wait3A_32 : memref<160x256xf32, #tpu.memory_space<hbm>>) dst(%arg5 : memref<160x256xf32, #tpu.memory_space<vmem>>)
    %scan3A_33 = arith.constant 0 : i32
    %scan3A_34 = arith.constant 160 : i32
    %scan3A_35 = arith.addi %scan3A_33, %scan3A_34 : i32
    %scan3A_36 = arith.constant 1 : i32
    %scan3A_37:4 = scf.for %scan3A_54 = %scan3A_33 to %scan3A_35 step %scan3A_36 iter_args(%scan3A_55 = %scan3A_27#0, %scan3A_56 = %scan3A_27#1, %scan3A_57 = %scan3A_27#2, %scan3A_58 = %scan3A_27#3) -> (vector<16xf32>, vector<16xf32>, vector<16xf32>, vector<16xf32>)  : i32 {
      %get3A = arith.index_cast %scan3A_54 : i32 to index
      %get3A_59 = arith.constant 0 : index
      %get3A_60 = tpu.vector_load %arg5[%get3A, %get3A_59] {strides = array<i32>} : memref<160x256xf32, #tpu.memory_space<vmem>>, vector<1x16xf32>,
      %get3A_61 = vector.shape_cast %get3A_60 : vector<1x16xf32> to vector<16xf32>
      %max3A = arith.maximumf %scan3A_55, %get3A_61 : vector<16xf32>
      %min3A = arith.minimumf %scan3A_56, %get3A_61 : vector<16xf32>
      %add3A_62 = arith.addf %scan3A_57, %get3A_61 : vector<16xf32>
      %mul3A_63 = arith.mulf %get3A_61, %get3A_61 : vector<16xf32>
      %add3A_64 = arith.addf %scan3A_58, %mul3A_63 : vector<16xf32>
      %get3A_65 = arith.index_cast %scan3A_54 : i32 to index
      %get3A_66 = arith.constant 16 : index
      %get3A_67 = tpu.vector_load %arg5[%get3A_65, %get3A_66] {strides = array<i32>} : memref<160x256xf32, #tpu.memory_space<vmem>>, vector<1x16xf32>,
      %get3A_68 = vector.shape_cast %get3A_67 : vector<1x16xf32> to vector<16xf32>
      %max3A_69 = arith.maximumf %max3A, %get3A_68 : vector<16xf32>
      %min3A_70 = arith.minimumf %min3A, %get3A_68 : vector<16xf32>
      %add3A_71 = arith.addf %add3A_62, %get3A_68 : vector<16xf32>
      %mul3A_72 = arith.mulf %get3A_68, %get3A_68 : vector<16xf32>
      %add3A_73 = arith.addf %add3A_64, %mul3A_72 : vector<16xf32>
      %get3A_74 = arith.index_cast %scan3A_54 : i32 to index
      %get3A_75 = arith.constant 32 : index
      %get3A_76 = tpu.vector_load %arg5[%get3A_74, %get3A_75] {strides = array<i32>} : memref<160x256xf32, #tpu.memory_space<vmem>>, vector<1x16xf32>,
      %get3A_77 = vector.shape_cast %get3A_76 : vector<1x16xf32> to vector<16xf32>
      %max3A_78 = arith.maximumf %max3A_69, %get3A_77 : vector<16xf32>
      %min3A_79 = arith.minimumf %min3A_70, %get3A_77 : vector<16xf32>
      %add3A_80 = arith.addf %add3A_71, %get3A_77 : vector<16xf32>
      %mul3A_81 = arith.mulf %get3A_77, %get3A_77 : vector<16xf32>
      %add3A_82 = arith.addf %add3A_73, %mul3A_81 : vector<16xf32>
      %get3A_83 = arith.index_cast %scan3A_54 : i32 to index
      %get3A_84 = arith.constant 48 : index
      %get3A_85 = tpu.vector_load %arg5[%get3A_83, %get3A_84] {strides = array<i32>} : memref<160x256xf32, #tpu.memory_space<vmem>>, vector<1x16xf32>,
      %get3A_86 = vector.shape_cast %get3A_85 : vector<1x16xf32> to vector<16xf32>
      %max3A_87 = arith.maximumf %max3A_78, %get3A_86 : vector<16xf32>
      %min3A_88 = arith.minimumf %min3A_79, %get3A_86 : vector<16xf32>
      %add3A_89 = arith.addf %add3A_80, %get3A_86 : vector<16xf32>
      %mul3A_90 = arith.mulf %get3A_86, %get3A_86 : vector<16xf32>
      %add3A_91 = arith.addf %add3A_82, %mul3A_90 : vector<16xf32>
      %get3A_92 = arith.index_cast %scan3A_54 : i32 to index
      %get3A_93 = arith.constant 64 : index
      %get3A_94 = tpu.vector_load %arg5[%get3A_92, %get3A_93] {strides = array<i32>} : memref<160x256xf32, #tpu.memory_space<vmem>>, vector<1x16xf32>,
      %get3A_95 = vector.shape_cast %get3A_94 : vector<1x16xf32> to vector<16xf32>
      %max3A_96 = arith.maximumf %max3A_87, %get3A_95 : vector<16xf32>
      %min3A_97 = arith.minimumf %min3A_88, %get3A_95 : vector<16xf32>
      %add3A_98 = arith.addf %add3A_89, %get3A_95 : vector<16xf32>
      %mul3A_99 = arith.mulf %get3A_95, %get3A_95 : vector<16xf32>
      %add3A_100 = arith.addf %add3A_91, %mul3A_99 : vector<16xf32>
      %get3A_101 = arith.index_cast %scan3A_54 : i32 to index
      %get3A_102 = arith.constant 80 : index
      %get3A_103 = tpu.vector_load %arg5[%get3A_101, %get3A_102] {strides = array<i32>} : memref<160x256xf32, #tpu.memory_space<vmem>>, vector<1x16xf32>,
      %get3A_104 = vector.shape_cast %get3A_103 : vector<1x16xf32> to vector<16xf32>
      %max3A_105 = arith.maximumf %max3A_96, %get3A_104 : vector<16xf32>
      %min3A_106 = arith.minimumf %min3A_97, %get3A_104 : vector<16xf32>
      %add3A_107 = arith.addf %add3A_98, %get3A_104 : vector<16xf32>
      %mul3A_108 = arith.mulf %get3A_104, %get3A_104 : vector<16xf32>
      %add3A_109 = arith.addf %add3A_100, %mul3A_108 : vector<16xf32>
      %get3A_110 = arith.index_cast %scan3A_54 : i32 to index
      %get3A_111 = arith.constant 96 : index
      %get3A_112 = tpu.vector_load %arg5[%get3A_110, %get3A_111] {strides = array<i32>} : memref<160x256xf32, #tpu.memory_space<vmem>>, vector<1x16xf32>,
      %get3A_113 = vector.shape_cast %get3A_112 : vector<1x16xf32> to vector<16xf32>
      %max3A_114 = arith.maximumf %max3A_105, %get3A_113 : vector<16xf32>
      %min3A_115 = arith.minimumf %min3A_106, %get3A_113 : vector<16xf32>
      %add3A_116 = arith.addf %add3A_107, %get3A_113 : vector<16xf32>
      %mul3A_117 = arith.mulf %get3A_113, %get3A_113 : vector<16xf32>
      %add3A_118 = arith.addf %add3A_109, %mul3A_117 : vector<16xf32>
      %get3A_119 = arith.index_cast %scan3A_54 : i32 to index
      %get3A_120 = arith.constant 112 : index
      %get3A_121 = tpu.vector_load %arg5[%get3A_119, %get3A_120] {strides = array<i32>} : memref<160x256xf32, #tpu.memory_space<vmem>>, vector<1x16xf32>,
      %get3A_122 = vector.shape_cast %get3A_121 : vector<1x16xf32> to vector<16xf32>
      %max3A_123 = arith.maximumf %max3A_114, %get3A_122 : vector<16xf32>
      %min3A_124 = arith.minimumf %min3A_115, %get3A_122 : vector<16xf32>
      %add3A_125 = arith.addf %add3A_116, %get3A_122 : vector<16xf32>
      %mul3A_126 = arith.mulf %get3A_122, %get3A_122 : vector<16xf32>
      %add3A_127 = arith.addf %add3A_118, %mul3A_126 : vector<16xf32>
      %get3A_128 = arith.index_cast %scan3A_54 : i32 to index
      %get3A_129 = arith.constant 128 : index
      %get3A_130 = tpu.vector_load %arg5[%get3A_128, %get3A_129] {strides = array<i32>} : memref<160x256xf32, #tpu.memory_space<vmem>>, vector<1x16xf32>,
      %get3A_131 = vector.shape_cast %get3A_130 : vector<1x16xf32> to vector<16xf32>
      %max3A_132 = arith.maximumf %max3A_123, %get3A_131 : vector<16xf32>
      %min3A_133 = arith.minimumf %min3A_124, %get3A_131 : vector<16xf32>
      %add3A_134 = arith.addf %add3A_125, %get3A_131 : vector<16xf32>
      %mul3A_135 = arith.mulf %get3A_131, %get3A_131 : vector<16xf32>
      %add3A_136 = arith.addf %add3A_127, %mul3A_135 : vector<16xf32>
      %get3A_137 = arith.index_cast %scan3A_54 : i32 to index
      %get3A_138 = arith.constant 144 : index
      %get3A_139 = tpu.vector_load %arg5[%get3A_137, %get3A_138] {strides = array<i32>} : memref<160x256xf32, #tpu.memory_space<vmem>>, vector<1x16xf32>,
      %get3A_140 = vector.shape_cast %get3A_139 : vector<1x16xf32> to vector<16xf32>
      %max3A_141 = arith.maximumf %max3A_132, %get3A_140 : vector<16xf32>
      %min3A_142 = arith.minimumf %min3A_133, %get3A_140 : vector<16xf32>
      %add3A_143 = arith.addf %add3A_134, %get3A_140 : vector<16xf32>
      %mul3A_144 = arith.mulf %get3A_140, %get3A_140 : vector<16xf32>
      %add3A_145 = arith.addf %add3A_136, %mul3A_144 : vector<16xf32>
      %get3A_146 = arith.index_cast %scan3A_54 : i32 to index
      %get3A_147 = arith.constant 160 : index
      %get3A_148 = tpu.vector_load %arg5[%get3A_146, %get3A_147] {strides = array<i32>} : memref<160x256xf32, #tpu.memory_space<vmem>>, vector<1x16xf32>,
      %get3A_149 = vector.shape_cast %get3A_148 : vector<1x16xf32> to vector<16xf32>
      %max3A_150 = arith.maximumf %max3A_141, %get3A_149 : vector<16xf32>
      %min3A_151 = arith.minimumf %min3A_142, %get3A_149 : vector<16xf32>
      %add3A_152 = arith.addf %add3A_143, %get3A_149 : vector<16xf32>
      %mul3A_153 = arith.mulf %get3A_149, %get3A_149 : vector<16xf32>
      %add3A_154 = arith.addf %add3A_145, %mul3A_153 : vector<16xf32>
      %get3A_155 = arith.index_cast %scan3A_54 : i32 to index
      %get3A_156 = arith.constant 176 : index
      %get3A_157 = tpu.vector_load %arg5[%get3A_155, %get3A_156] {strides = array<i32>} : memref<160x256xf32, #tpu.memory_space<vmem>>, vector<1x16xf32>,
      %get3A_158 = vector.shape_cast %get3A_157 : vector<1x16xf32> to vector<16xf32>
      %max3A_159 = arith.maximumf %max3A_150, %get3A_158 : vector<16xf32>
      %min3A_160 = arith.minimumf %min3A_151, %get3A_158 : vector<16xf32>
      %add3A_161 = arith.addf %add3A_152, %get3A_158 : vector<16xf32>
      %mul3A_162 = arith.mulf %get3A_158, %get3A_158 : vector<16xf32>
      %add3A_163 = arith.addf %add3A_154, %mul3A_162 : vector<16xf32>
      %get3A_164 = arith.index_cast %scan3A_54 : i32 to index
      %get3A_165 = arith.constant 192 : index
      %get3A_166 = tpu.vector_load %arg5[%get3A_164, %get3A_165] {strides = array<i32>} : memref<160x256xf32, #tpu.memory_space<vmem>>, vector<1x16xf32>,
      %get3A_167 = vector.shape_cast %get3A_166 : vector<1x16xf32> to vector<16xf32>
      %max3A_168 = arith.maximumf %max3A_159, %get3A_167 : vector<16xf32>
      %min3A_169 = arith.minimumf %min3A_160, %get3A_167 : vector<16xf32>
      %add3A_170 = arith.addf %add3A_161, %get3A_167 : vector<16xf32>
      %mul3A_171 = arith.mulf %get3A_167, %get3A_167 : vector<16xf32>
      %add3A_172 = arith.addf %add3A_163, %mul3A_171 : vector<16xf32>
      %get3A_173 = arith.index_cast %scan3A_54 : i32 to index
      %get3A_174 = arith.constant 208 : index
      %get3A_175 = tpu.vector_load %arg5[%get3A_173, %get3A_174] {strides = array<i32>} : memref<160x256xf32, #tpu.memory_space<vmem>>, vector<1x16xf32>,
      %get3A_176 = vector.shape_cast %get3A_175 : vector<1x16xf32> to vector<16xf32>
      %max3A_177 = arith.maximumf %max3A_168, %get3A_176 : vector<16xf32>
      %min3A_178 = arith.minimumf %min3A_169, %get3A_176 : vector<16xf32>
      %add3A_179 = arith.addf %add3A_170, %get3A_176 : vector<16xf32>
      %mul3A_180 = arith.mulf %get3A_176, %get3A_176 : vector<16xf32>
      %add3A_181 = arith.addf %add3A_172, %mul3A_180 : vector<16xf32>
      %get3A_182 = arith.index_cast %scan3A_54 : i32 to index
      %get3A_183 = arith.constant 224 : index
      %get3A_184 = tpu.vector_load %arg5[%get3A_182, %get3A_183] {strides = array<i32>} : memref<160x256xf32, #tpu.memory_space<vmem>>, vector<1x16xf32>,
      %get3A_185 = vector.shape_cast %get3A_184 : vector<1x16xf32> to vector<16xf32>
      %max3A_186 = arith.maximumf %max3A_177, %get3A_185 : vector<16xf32>
      %min3A_187 = arith.minimumf %min3A_178, %get3A_185 : vector<16xf32>
      %add3A_188 = arith.addf %add3A_179, %get3A_185 : vector<16xf32>
      %mul3A_189 = arith.mulf %get3A_185, %get3A_185 : vector<16xf32>
      %add3A_190 = arith.addf %add3A_181, %mul3A_189 : vector<16xf32>
      %get3A_191 = arith.index_cast %scan3A_54 : i32 to index
      %get3A_192 = arith.constant 240 : index
      %get3A_193 = tpu.vector_load %arg5[%get3A_191, %get3A_192] {strides = array<i32>} : memref<160x256xf32, #tpu.memory_space<vmem>>, vector<1x16xf32>,
      %get3A_194 = vector.shape_cast %get3A_193 : vector<1x16xf32> to vector<16xf32>
      %max3A_195 = arith.maximumf %max3A_186, %get3A_194 : vector<16xf32>
      %min3A_196 = arith.minimumf %min3A_187, %get3A_194 : vector<16xf32>
      %add3A_197 = arith.addf %add3A_188, %get3A_194 : vector<16xf32>
      %mul3A_198 = arith.mulf %get3A_194, %get3A_194 : vector<16xf32>
      %add3A_199 = arith.addf %add3A_190, %mul3A_198 : vector<16xf32>
      scf.yield %max3A_195, %min3A_196, %add3A_197, %add3A_199 : vector<16xf32>, vector<16xf32>, vector<16xf32>, vector<16xf32>
    }
    %scan3A_38 = arith.constant 160 : i32
    %swap3A = arith.constant 0 : index
    %swap3A_39 = tpu.vector_load %arg6[%swap3A] {strides = array<i32>} : memref<64xf32, #tpu.memory_space<vmem>>, vector<16xf32>,
    %swap3A_40 = vector.shape_cast %swap3A_39 : vector<16xf32> to vector<16xf32>
    %swap3A_41 = vector.shape_cast %scan3A_37#0 : vector<16xf32> to vector<16xf32>
    tpu.vector_store %arg6[%swap3A], %swap3A_41 {strides = array<i32>} : memref<64xf32, #tpu.memory_space<vmem>>, vector<16xf32>,
    %swap3A_42 = arith.constant 16 : index
    %swap3A_43 = tpu.vector_load %arg6[%swap3A_42] {strides = array<i32>} : memref<64xf32, #tpu.memory_space<vmem>>, vector<16xf32>,
    %swap3A_44 = vector.shape_cast %swap3A_43 : vector<16xf32> to vector<16xf32>
    %swap3A_45 = vector.shape_cast %scan3A_37#1 : vector<16xf32> to vector<16xf32>
    tpu.vector_store %arg6[%swap3A_42], %swap3A_45 {strides = array<i32>} : memref<64xf32, #tpu.memory_space<vmem>>, vector<16xf32>,
    %swap3A_46 = arith.constant 32 : index
    %swap3A_47 = tpu.vector_load %arg6[%swap3A_46] {strides = array<i32>} : memref<64xf32, #tpu.memory_space<vmem>>, vector<16xf32>,
    %swap3A_48 = vector.shape_cast %swap3A_47 : vector<16xf32> to vector<16xf32>
    %swap3A_49 = vector.shape_cast %scan3A_37#2 : vector<16xf32> to vector<16xf32>
    tpu.vector_store %arg6[%swap3A_46], %swap3A_49 {strides = array<i32>} : memref<64xf32, #tpu.memory_space<vmem>>, vector<16xf32>,
    %swap3A_50 = arith.constant 48 : index
    %swap3A_51 = tpu.vector_load %arg6[%swap3A_50] {strides = array<i32>} : memref<64xf32, #tpu.memory_space<vmem>>, vector<16xf32>,
    %swap3A_52 = vector.shape_cast %swap3A_51 : vector<16xf32> to vector<16xf32>
    %swap3A_53 = vector.shape_cast %scan3A_37#3 : vector<16xf32> to vector<16xf32>
    tpu.vector_store %arg6[%swap3A_50], %swap3A_53 {strides = array<i32>} : memref<64xf32, #tpu.memory_space<vmem>>, vector<16xf32>,
    "tpu.region"() ({
      %run_scoped3A = tpu.sem_alloc : memref<!tpu.dma_semaphore, #tpu.memory_space<semaphore_mem>>
      %dma_start3A_54 = arith.constant 0 : i32
      %dma_start3A_55 = tpu.memref_slice %arg3[%add3A, %dma_start3A_54] : memref<32x64xf32, #tpu.memory_space<hbm>> -> memref<1x64xf32, #tpu.memory_space<hbm>>
      %dma_start3A_56 = tpu.memref_squeeze %dma_start3A_55 : memref<1x64xf32, #tpu.memory_space<hbm>> -> memref<64xf32, #tpu.memory_space<hbm>>
      %dma_start3A_57 = arith.constant 0 : i32
      %dma_start3A_58 = tpu.memref_slice %arg3[%add3A, %dma_start3A_57] : memref<32x64xf32, #tpu.memory_space<hbm>> -> memref<1x64xf32, #tpu.memory_space<hbm>>
      %dma_start3A_59 = tpu.memref_squeeze %dma_start3A_58 : memref<1x64xf32, #tpu.memory_space<hbm>> -> memref<64xf32, #tpu.memory_space<hbm>>
      tpu.enqueue_dma source(%arg6 : memref<64xf32, #tpu.memory_space<vmem>>) target(%dma_start3A_59 : memref<64xf32, #tpu.memory_space<hbm>>) target_semaphore(%run_scoped3A : memref<!tpu.dma_semaphore, #tpu.memory_space<semaphore_mem>>)
      %dma_wait3A_60 = arith.constant 0 : i32
      %dma_wait3A_61 = tpu.memref_slice %arg3[%add3A, %dma_wait3A_60] : memref<32x64xf32, #tpu.memory_space<hbm>> -> memref<1x64xf32, #tpu.memory_space<hbm>>
      %dma_wait3A_62 = tpu.memref_squeeze %dma_wait3A_61 : memref<1x64xf32, #tpu.memory_space<hbm>> -> memref<64xf32, #tpu.memory_space<hbm>>
      %dma_wait3A_63 = arith.constant 0 : i32
      %dma_wait3A_64 = tpu.memref_slice %arg3[%add3A, %dma_wait3A_63] : memref<32x64xf32, #tpu.memory_space<hbm>> -> memref<1x64xf32, #tpu.memory_space<hbm>>
      %dma_wait3A_65 = tpu.memref_squeeze %dma_wait3A_64 : memref<1x64xf32, #tpu.memory_space<hbm>> -> memref<64xf32, #tpu.memory_space<hbm>>
      tpu.wait_dma2 semaphore(%run_scoped3A : memref<!tpu.dma_semaphore, #tpu.memory_space<semaphore_mem>>) src(%arg6 : memref<64xf32, #tpu.memory_space<vmem>>) dst(%dma_wait3A_65 : memref<64xf32, #tpu.memory_space<hbm>>)
      tpu.yield
    }) : () -> ()
    return
  }
}

module attributes {stable_mosaic.version = 14 : i64} {
  func.func @_finalize_kernel(%arg0: memref<32x64xf32, #tpu.memory_space<vmem>>, %arg1: memref<32x256xf32, #tpu.memory_space<vmem>>, %arg2: memref<4x256xf32, #tpu.memory_space<vmem>>, %arg3: memref<1x256xf32, #tpu.memory_space<vmem>>, %arg4: memref<1x256xf32, #tpu.memory_space<vmem>>) attributes {dimension_semantics = [], scalar_prefetch = 0 : i64, scratch_operands = 0 : i64, tpu.core_type = #tpu.core_type<tc>} {
    %get3A = arith.constant 0 : index
    %get3A_0 = arith.constant 0 : index
    %get3A_1 = vector.load %arg0[%get3A, %get3A_0] : memref<32x64xf32, #tpu.memory_space<vmem>>, vector<32x64xf32>
    %get3A_2 = arith.constant 0 : index
    %get3A_3 = arith.constant 0 : index
    %get3A_4 = vector.load %arg1[%get3A_2, %get3A_3] : memref<32x256xf32, #tpu.memory_space<vmem>>, vector<32x256xf32>
    %slice3A = vector.extract_strided_slice %get3A_1 {offsets = [0, 0], sizes = [32, 16], strides = [1, 1]} : vector<32x64xf32> to vector<32x16xf32>
    %reduce_max3A = vector.shape_cast %slice3A : vector<32x16xf32> to vector<1x32x16xf32>
    %reduce_max3A_5 = arith.constant dense<0xFF800000> : vector<1xf32>
    %reduce_max3A_6 = vector.multi_reduction <maximumf>, %reduce_max3A, %reduce_max3A_5 [1, 2] : vector<1x32x16xf32> to vector<1xf32>
    %reduce_max3A_7 = vector.shape_cast %reduce_max3A_6 : vector<1xf32> to vector<1x1x1xf32>
    %reduce_max3A_8 = vector.extract %reduce_max3A_7[0, 0, 0] : f32 from vector<1x1x1xf32>
    %slice3A_9 = vector.extract_strided_slice %get3A_4 {offsets = [0, 0], sizes = [8, 256], strides = [1, 1]} : vector<32x256xf32> to vector<8x256xf32>
    %reduce_max3A_10 = vector.shape_cast %slice3A_9 : vector<8x256xf32> to vector<1x8x256xf32>
    %reduce_max3A_11 = arith.constant dense<0xFF800000> : vector<1xf32>
    %reduce_max3A_12 = vector.multi_reduction <maximumf>, %reduce_max3A_10, %reduce_max3A_11 [1, 2] : vector<1x8x256xf32> to vector<1xf32>
    %reduce_max3A_13 = vector.shape_cast %reduce_max3A_12 : vector<1xf32> to vector<1x1x1xf32>
    %reduce_max3A_14 = vector.extract %reduce_max3A_13[0, 0, 0] : f32 from vector<1x1x1xf32>
    %max3A = arith.maximumf %reduce_max3A_8, %reduce_max3A_14 : f32
    %slice3A_15 = vector.extract_strided_slice %get3A_1 {offsets = [0, 16], sizes = [32, 16], strides = [1, 1]} : vector<32x64xf32> to vector<32x16xf32>
    %reduce_min3A = vector.shape_cast %slice3A_15 : vector<32x16xf32> to vector<1x32x16xf32>
    %reduce_min3A_16 = arith.constant dense<0x7F800000> : vector<1xf32>
    %reduce_min3A_17 = vector.multi_reduction <minimumf>, %reduce_min3A, %reduce_min3A_16 [1, 2] : vector<1x32x16xf32> to vector<1xf32>
    %reduce_min3A_18 = vector.shape_cast %reduce_min3A_17 : vector<1xf32> to vector<1x1x1xf32>
    %reduce_min3A_19 = vector.extract %reduce_min3A_18[0, 0, 0] : f32 from vector<1x1x1xf32>
    %slice3A_20 = vector.extract_strided_slice %get3A_4 {offsets = [8, 0], sizes = [8, 256], strides = [1, 1]} : vector<32x256xf32> to vector<8x256xf32>
    %reduce_min3A_21 = vector.shape_cast %slice3A_20 : vector<8x256xf32> to vector<1x8x256xf32>
    %reduce_min3A_22 = arith.constant dense<0x7F800000> : vector<1xf32>
    %reduce_min3A_23 = vector.multi_reduction <minimumf>, %reduce_min3A_21, %reduce_min3A_22 [1, 2] : vector<1x8x256xf32> to vector<1xf32>
    %reduce_min3A_24 = vector.shape_cast %reduce_min3A_23 : vector<1xf32> to vector<1x1x1xf32>
    %reduce_min3A_25 = vector.extract %reduce_min3A_24[0, 0, 0] : f32 from vector<1x1x1xf32>
    %min3A = arith.minimumf %reduce_min3A_19, %reduce_min3A_25 : f32
    %slice3A_26 = vector.extract_strided_slice %get3A_1 {offsets = [0, 32], sizes = [32, 16], strides = [1, 1]} : vector<32x64xf32> to vector<32x16xf32>
    %reduce_sum3A = vector.shape_cast %slice3A_26 : vector<32x16xf32> to vector<1x32x16xf32>
    %reduce_sum3A_27 = arith.constant dense<0.000000e+00> : vector<1xf32>
    %reduce_sum3A_28 = vector.multi_reduction <add>, %reduce_sum3A, %reduce_sum3A_27 [1, 2] : vector<1x32x16xf32> to vector<1xf32>
    %reduce_sum3A_29 = vector.shape_cast %reduce_sum3A_28 : vector<1xf32> to vector<1x1x1xf32>
    %reduce_sum3A_30 = vector.extract %reduce_sum3A_29[0, 0, 0] : f32 from vector<1x1x1xf32>
    %slice3A_31 = vector.extract_strided_slice %get3A_4 {offsets = [16, 0], sizes = [8, 256], strides = [1, 1]} : vector<32x256xf32> to vector<8x256xf32>
    %reduce_sum3A_32 = vector.shape_cast %slice3A_31 : vector<8x256xf32> to vector<1x8x256xf32>
    %reduce_sum3A_33 = arith.constant dense<0.000000e+00> : vector<1xf32>
    %reduce_sum3A_34 = vector.multi_reduction <add>, %reduce_sum3A_32, %reduce_sum3A_33 [1, 2] : vector<1x8x256xf32> to vector<1xf32>
    %reduce_sum3A_35 = vector.shape_cast %reduce_sum3A_34 : vector<1xf32> to vector<1x1x1xf32>
    %reduce_sum3A_36 = vector.extract %reduce_sum3A_35[0, 0, 0] : f32 from vector<1x1x1xf32>
    %add3A = arith.addf %reduce_sum3A_30, %reduce_sum3A_36 : f32
    %slice3A_37 = vector.extract_strided_slice %get3A_1 {offsets = [0, 48], sizes = [32, 16], strides = [1, 1]} : vector<32x64xf32> to vector<32x16xf32>
    %reduce_sum3A_38 = vector.shape_cast %slice3A_37 : vector<32x16xf32> to vector<1x32x16xf32>
    %reduce_sum3A_39 = arith.constant dense<0.000000e+00> : vector<1xf32>
    %reduce_sum3A_40 = vector.multi_reduction <add>, %reduce_sum3A_38, %reduce_sum3A_39 [1, 2] : vector<1x32x16xf32> to vector<1xf32>
    %reduce_sum3A_41 = vector.shape_cast %reduce_sum3A_40 : vector<1xf32> to vector<1x1x1xf32>
    %reduce_sum3A_42 = vector.extract %reduce_sum3A_41[0, 0, 0] : f32 from vector<1x1x1xf32>
    %slice3A_43 = vector.extract_strided_slice %get3A_4 {offsets = [24, 0], sizes = [8, 256], strides = [1, 1]} : vector<32x256xf32> to vector<8x256xf32>
    %reduce_sum3A_44 = vector.shape_cast %slice3A_43 : vector<8x256xf32> to vector<1x8x256xf32>
    %reduce_sum3A_45 = arith.constant dense<0.000000e+00> : vector<1xf32>
    %reduce_sum3A_46 = vector.multi_reduction <add>, %reduce_sum3A_44, %reduce_sum3A_45 [1, 2] : vector<1x8x256xf32> to vector<1xf32>
    %reduce_sum3A_47 = vector.shape_cast %reduce_sum3A_46 : vector<1xf32> to vector<1x1x1xf32>
    %reduce_sum3A_48 = vector.extract %reduce_sum3A_47[0, 0, 0] : f32 from vector<1x1x1xf32>
    %add3A_49 = arith.addf %reduce_sum3A_42, %reduce_sum3A_48 : f32
    %div3A = arith.constant 1.280000e+07 : f32
    %div3A_50 = arith.divf %add3A, %div3A : f32
    %div3A_51 = arith.constant 1.280000e+07 : f32
    %div3A_52 = arith.divf %add3A_49, %div3A_51 : f32
    %mul3A = arith.mulf %div3A_50, %div3A_50 : f32
    %sub3A = arith.subf %div3A_52, %mul3A : f32
    %max3A_53 = arith.constant 0.000000e+00 : f32
    %max3A_54 = arith.maximumf %sub3A, %max3A_53 : f32
    %sqrt3A = math.sqrt %max3A_54 : f32
    %get3A_55 = arith.constant 0 : index
    %get3A_56 = arith.constant 0 : index
    %get3A_57 = vector.load %arg2[%get3A_55, %get3A_56] : memref<4x256xf32, #tpu.memory_space<vmem>>, vector<4x256xf32>
    %slice3A_58 = vector.extract_strided_slice %get3A_57 {offsets = [0, 0], sizes = [1, 256], strides = [1, 1]} : vector<4x256xf32> to vector<1x256xf32>
    %mul3A_59 = vector.broadcast %max3A : f32 to vector<1x256xf32>
    %mul3A_60 = arith.mulf %mul3A_59, %slice3A_58 : vector<1x256xf32>
    %slice3A_61 = vector.extract_strided_slice %get3A_57 {offsets = [1, 0], sizes = [1, 256], strides = [1, 1]} : vector<4x256xf32> to vector<1x256xf32>
    %mul3A_62 = vector.broadcast %min3A : f32 to vector<1x256xf32>
    %mul3A_63 = arith.mulf %mul3A_62, %slice3A_61 : vector<1x256xf32>
    %add3A_64 = arith.addf %mul3A_60, %mul3A_63 : vector<1x256xf32>
    %slice3A_65 = vector.extract_strided_slice %get3A_57 {offsets = [2, 0], sizes = [1, 256], strides = [1, 1]} : vector<4x256xf32> to vector<1x256xf32>
    %mul3A_66 = vector.broadcast %div3A_50 : f32 to vector<1x256xf32>
    %mul3A_67 = arith.mulf %mul3A_66, %slice3A_65 : vector<1x256xf32>
    %add3A_68 = arith.addf %add3A_64, %mul3A_67 : vector<1x256xf32>
    %slice3A_69 = vector.extract_strided_slice %get3A_57 {offsets = [3, 0], sizes = [1, 256], strides = [1, 1]} : vector<4x256xf32> to vector<1x256xf32>
    %mul3A_70 = vector.broadcast %sqrt3A : f32 to vector<1x256xf32>
    %mul3A_71 = arith.mulf %mul3A_70, %slice3A_69 : vector<1x256xf32>
    %add3A_72 = arith.addf %add3A_68, %mul3A_71 : vector<1x256xf32>
    %get3A_73 = arith.constant 0 : index
    %get3A_74 = arith.constant 0 : index
    %get3A_75 = vector.load %arg3[%get3A_73, %get3A_74] : memref<1x256xf32, #tpu.memory_space<vmem>>, vector<1x256xf32>
    %add3A_76 = arith.addf %add3A_72, %get3A_75 : vector<1x256xf32>
    %swap3A = arith.constant 0 : index
    %swap3A_77 = arith.constant 0 : index
    %swap3A_78 = vector.load %arg4[%swap3A, %swap3A_77] : memref<1x256xf32, #tpu.memory_space<vmem>>, vector<1x256xf32>
    tpu.vector_store %arg4[%swap3A, %swap3A_77], %add3A_76 {strides = array<i32>} : memref<1x256xf32, #tpu.memory_space<vmem>>, vector<1x256xf32>,
    return
  }
}

module attributes {stable_mosaic.version = 14 : i64} {
  func.func @_tc_partials_kernel(%arg0: i32, %arg1: memref<3976x256xf32, #tpu.memory_space<vmem>>, %arg2: memref<3976x256xf32, #tpu.memory_space<vmem>>, %arg3: memref<32x256xf32, #tpu.memory_space<vmem>>, %arg4: memref<8x256xf32, #tpu.memory_space<vmem>>, %arg5: memref<8x256xf32, #tpu.memory_space<vmem>>, %arg6: memref<8x256xf32, #tpu.memory_space<vmem>>, %arg7: memref<8x256xf32, #tpu.memory_space<vmem>>) attributes {dimension_semantics = [#tpu.dimension_semantics<arbitrary>], iteration_bounds = array<i64: 5>, scalar_prefetch = 0 : i64, scratch_operands = 4 : i64, tpu.core_type = #tpu.core_type<tc>, window_params = [{transform_indices = @transform_0, window_bounds = array<i64: 3976, 256>}, {transform_indices = @transform_1, window_bounds = array<i64: 3976, 256>}, {pipeline_mode = #tpu.pipeline_mode<synchronous>, transform_indices = @transform_2, window_bounds = array<i64: 32, 256>}]} {
    %eq3A = arith.constant 0 : i32
    %eq3A_0 = arith.cmpi eq, %arg0, %eq3A : i32
    %convert_element_type3A = arith.extui %eq3A_0 : i1 to i32
    %cond3A = arith.constant 0 : i32
    %cond3A_1 = arith.cmpi ne, %convert_element_type3A, %cond3A : i32
    scf.if %cond3A_1 {
      %broadcast_in_dim3A = arith.constant 0xFF800000 : f32
      %broadcast_in_dim3A_79 = vector.broadcast %broadcast_in_dim3A : f32 to vector<8x256xf32>
      %swap3A_80 = arith.constant 0 : index
      %swap3A_81 = arith.constant 0 : index
      %swap3A_82 = vector.load %arg4[%swap3A_80, %swap3A_81] : memref<8x256xf32, #tpu.memory_space<vmem>>, vector<8x256xf32>
      tpu.vector_store %arg4[%swap3A_80, %swap3A_81], %broadcast_in_dim3A_79 {strides = array<i32>} : memref<8x256xf32, #tpu.memory_space<vmem>>, vector<8x256xf32>,
      %broadcast_in_dim3A_83 = arith.constant 0x7F800000 : f32
      %broadcast_in_dim3A_84 = vector.broadcast %broadcast_in_dim3A_83 : f32 to vector<8x256xf32>
      %swap3A_85 = arith.constant 0 : index
      %swap3A_86 = arith.constant 0 : index
      %swap3A_87 = vector.load %arg5[%swap3A_85, %swap3A_86] : memref<8x256xf32, #tpu.memory_space<vmem>>, vector<8x256xf32>
      tpu.vector_store %arg5[%swap3A_85, %swap3A_86], %broadcast_in_dim3A_84 {strides = array<i32>} : memref<8x256xf32, #tpu.memory_space<vmem>>, vector<8x256xf32>,
      %broadcast_in_dim3A_88 = arith.constant 0.000000e+00 : f32
      %broadcast_in_dim3A_89 = vector.broadcast %broadcast_in_dim3A_88 : f32 to vector<8x256xf32>
      %swap3A_90 = arith.constant 0 : index
      %swap3A_91 = arith.constant 0 : index
      %swap3A_92 = vector.load %arg6[%swap3A_90, %swap3A_91] : memref<8x256xf32, #tpu.memory_space<vmem>>, vector<8x256xf32>
      tpu.vector_store %arg6[%swap3A_90, %swap3A_91], %broadcast_in_dim3A_89 {strides = array<i32>} : memref<8x256xf32, #tpu.memory_space<vmem>>, vector<8x256xf32>,
      %broadcast_in_dim3A_93 = arith.constant 0.000000e+00 : f32
      %broadcast_in_dim3A_94 = vector.broadcast %broadcast_in_dim3A_93 : f32 to vector<8x256xf32>
      %swap3A_95 = arith.constant 0 : index
      %swap3A_96 = arith.constant 0 : index
      %swap3A_97 = vector.load %arg7[%swap3A_95, %swap3A_96] : memref<8x256xf32, #tpu.memory_space<vmem>>, vector<8x256xf32>
      tpu.vector_store %arg7[%swap3A_95, %swap3A_96], %broadcast_in_dim3A_94 {strides = array<i32>} : memref<8x256xf32, #tpu.memory_space<vmem>>, vector<8x256xf32>,
    } else {
    }
    %get3A = arith.constant 0 : index
    %get3A_2 = arith.constant 0 : index
    %get3A_3 = vector.load %arg1[%get3A, %get3A_2] : memref<3976x256xf32, #tpu.memory_space<vmem>>, vector<3976x256xf32>
    %reshape3A = vector.shape_cast %get3A_3 : vector<3976x256xf32> to vector<497x8x256xf32>
    %get3A_4 = arith.constant 0 : index
    %get3A_5 = arith.constant 0 : index
    %get3A_6 = vector.load %arg4[%get3A_4, %get3A_5] : memref<8x256xf32, #tpu.memory_space<vmem>>, vector<8x256xf32>
    %reduce_max3A = arith.constant dense<0xFF800000> : vector<8x256xf32>
    %reduce_max3A_7 = vector.multi_reduction <maximumf>, %reshape3A, %reduce_max3A [0] : vector<497x8x256xf32> to vector<8x256xf32>
    %max3A = arith.maximumf %get3A_6, %reduce_max3A_7 : vector<8x256xf32>
    %swap3A = arith.constant 0 : index
    %swap3A_8 = arith.constant 0 : index
    %swap3A_9 = vector.load %arg4[%swap3A, %swap3A_8] : memref<8x256xf32, #tpu.memory_space<vmem>>, vector<8x256xf32>
    tpu.vector_store %arg4[%swap3A, %swap3A_8], %max3A {strides = array<i32>} : memref<8x256xf32, #tpu.memory_space<vmem>>, vector<8x256xf32>,
    %get3A_10 = arith.constant 0 : index
    %get3A_11 = arith.constant 0 : index
    %get3A_12 = vector.load %arg5[%get3A_10, %get3A_11] : memref<8x256xf32, #tpu.memory_space<vmem>>, vector<8x256xf32>
    %reduce_min3A = arith.constant dense<0x7F800000> : vector<8x256xf32>
    %reduce_min3A_13 = vector.multi_reduction <minimumf>, %reshape3A, %reduce_min3A [0] : vector<497x8x256xf32> to vector<8x256xf32>
    %min3A = arith.minimumf %get3A_12, %reduce_min3A_13 : vector<8x256xf32>
    %swap3A_14 = arith.constant 0 : index
    %swap3A_15 = arith.constant 0 : index
    %swap3A_16 = vector.load %arg5[%swap3A_14, %swap3A_15] : memref<8x256xf32, #tpu.memory_space<vmem>>, vector<8x256xf32>
    tpu.vector_store %arg5[%swap3A_14, %swap3A_15], %min3A {strides = array<i32>} : memref<8x256xf32, #tpu.memory_space<vmem>>, vector<8x256xf32>,
    %get3A_17 = arith.constant 0 : index
    %get3A_18 = arith.constant 0 : index
    %get3A_19 = vector.load %arg6[%get3A_17, %get3A_18] : memref<8x256xf32, #tpu.memory_space<vmem>>, vector<8x256xf32>
    %reduce_sum3A = arith.constant dense<0.000000e+00> : vector<8x256xf32>
    %reduce_sum3A_20 = vector.multi_reduction <add>, %reshape3A, %reduce_sum3A [0] : vector<497x8x256xf32> to vector<8x256xf32>
    %add3A = arith.addf %get3A_19, %reduce_sum3A_20 : vector<8x256xf32>
    %swap3A_21 = arith.constant 0 : index
    %swap3A_22 = arith.constant 0 : index
    %swap3A_23 = vector.load %arg6[%swap3A_21, %swap3A_22] : memref<8x256xf32, #tpu.memory_space<vmem>>, vector<8x256xf32>
    tpu.vector_store %arg6[%swap3A_21, %swap3A_22], %add3A {strides = array<i32>} : memref<8x256xf32, #tpu.memory_space<vmem>>, vector<8x256xf32>,
    %get3A_24 = arith.constant 0 : index
    %get3A_25 = arith.constant 0 : index
    %get3A_26 = vector.load %arg7[%get3A_24, %get3A_25] : memref<8x256xf32, #tpu.memory_space<vmem>>, vector<8x256xf32>
    %mul3A = arith.mulf %reshape3A, %reshape3A : vector<497x8x256xf32>
    %reduce_sum3A_27 = arith.constant dense<0.000000e+00> : vector<8x256xf32>
    %reduce_sum3A_28 = vector.multi_reduction <add>, %mul3A, %reduce_sum3A_27 [0] : vector<497x8x256xf32> to vector<8x256xf32>
    %add3A_29 = arith.addf %get3A_26, %reduce_sum3A_28 : vector<8x256xf32>
    %swap3A_30 = arith.constant 0 : index
    %swap3A_31 = arith.constant 0 : index
    %swap3A_32 = vector.load %arg7[%swap3A_30, %swap3A_31] : memref<8x256xf32, #tpu.memory_space<vmem>>, vector<8x256xf32>
    tpu.vector_store %arg7[%swap3A_30, %swap3A_31], %add3A_29 {strides = array<i32>} : memref<8x256xf32, #tpu.memory_space<vmem>>, vector<8x256xf32>,
    %get3A_33 = arith.constant 0 : index
    %get3A_34 = arith.constant 0 : index
    %get3A_35 = vector.load %arg2[%get3A_33, %get3A_34] : memref<3976x256xf32, #tpu.memory_space<vmem>>, vector<3976x256xf32>
    %reshape3A_36 = vector.shape_cast %get3A_35 : vector<3976x256xf32> to vector<497x8x256xf32>
    %get3A_37 = arith.constant 0 : index
    %get3A_38 = arith.constant 0 : index
    %get3A_39 = vector.load %arg4[%get3A_37, %get3A_38] : memref<8x256xf32, #tpu.memory_space<vmem>>, vector<8x256xf32>
    %reduce_max3A_40 = arith.constant dense<0xFF800000> : vector<8x256xf32>
    %reduce_max3A_41 = vector.multi_reduction <maximumf>, %reshape3A_36, %reduce_max3A_40 [0] : vector<497x8x256xf32> to vector<8x256xf32>
    %max3A_42 = arith.maximumf %get3A_39, %reduce_max3A_41 : vector<8x256xf32>
    %swap3A_43 = arith.constant 0 : index
    %swap3A_44 = arith.constant 0 : index
    %swap3A_45 = vector.load %arg4[%swap3A_43, %swap3A_44] : memref<8x256xf32, #tpu.memory_space<vmem>>, vector<8x256xf32>
    tpu.vector_store %arg4[%swap3A_43, %swap3A_44], %max3A_42 {strides = array<i32>} : memref<8x256xf32, #tpu.memory_space<vmem>>, vector<8x256xf32>,
    %get3A_46 = arith.constant 0 : index
    %get3A_47 = arith.constant 0 : index
    %get3A_48 = vector.load %arg5[%get3A_46, %get3A_47] : memref<8x256xf32, #tpu.memory_space<vmem>>, vector<8x256xf32>
    %reduce_min3A_49 = arith.constant dense<0x7F800000> : vector<8x256xf32>
    %reduce_min3A_50 = vector.multi_reduction <minimumf>, %reshape3A_36, %reduce_min3A_49 [0] : vector<497x8x256xf32> to vector<8x256xf32>
    %min3A_51 = arith.minimumf %get3A_48, %reduce_min3A_50 : vector<8x256xf32>
    %swap3A_52 = arith.constant 0 : index
    %swap3A_53 = arith.constant 0 : index
    %swap3A_54 = vector.load %arg5[%swap3A_52, %swap3A_53] : memref<8x256xf32, #tpu.memory_space<vmem>>, vector<8x256xf32>
    tpu.vector_store %arg5[%swap3A_52, %swap3A_53], %min3A_51 {strides = array<i32>} : memref<8x256xf32, #tpu.memory_space<vmem>>, vector<8x256xf32>,
    %get3A_55 = arith.constant 0 : index
    %get3A_56 = arith.constant 0 : index
    %get3A_57 = vector.load %arg6[%get3A_55, %get3A_56] : memref<8x256xf32, #tpu.memory_space<vmem>>, vector<8x256xf32>
    %reduce_sum3A_58 = arith.constant dense<0.000000e+00> : vector<8x256xf32>
    %reduce_sum3A_59 = vector.multi_reduction <add>, %reshape3A_36, %reduce_sum3A_58 [0] : vector<497x8x256xf32> to vector<8x256xf32>
    %add3A_60 = arith.addf %get3A_57, %reduce_sum3A_59 : vector<8x256xf32>
    %swap3A_61 = arith.constant 0 : index
    %swap3A_62 = arith.constant 0 : index
    %swap3A_63 = vector.load %arg6[%swap3A_61, %swap3A_62] : memref<8x256xf32, #tpu.memory_space<vmem>>, vector<8x256xf32>
    tpu.vector_store %arg6[%swap3A_61, %swap3A_62], %add3A_60 {strides = array<i32>} : memref<8x256xf32, #tpu.memory_space<vmem>>, vector<8x256xf32>,
    %get3A_64 = arith.constant 0 : index
    %get3A_65 = arith.constant 0 : index
    %get3A_66 = vector.load %arg7[%get3A_64, %get3A_65] : memref<8x256xf32, #tpu.memory_space<vmem>>, vector<8x256xf32>
    %mul3A_67 = arith.mulf %reshape3A_36, %reshape3A_36 : vector<497x8x256xf32>
    %reduce_sum3A_68 = arith.constant dense<0.000000e+00> : vector<8x256xf32>
    %reduce_sum3A_69 = vector.multi_reduction <add>, %mul3A_67, %reduce_sum3A_68 [0] : vector<497x8x256xf32> to vector<8x256xf32>
    %add3A_70 = arith.addf %get3A_66, %reduce_sum3A_69 : vector<8x256xf32>
    %swap3A_71 = arith.constant 0 : index
    %swap3A_72 = arith.constant 0 : index
    %swap3A_73 = vector.load %arg7[%swap3A_71, %swap3A_72] : memref<8x256xf32, #tpu.memory_space<vmem>>, vector<8x256xf32>
    tpu.vector_store %arg7[%swap3A_71, %swap3A_72], %add3A_70 {strides = array<i32>} : memref<8x256xf32, #tpu.memory_space<vmem>>, vector<8x256xf32>,
    %eq3A_74 = arith.constant 4 : i32
    %eq3A_75 = arith.cmpi eq, %arg0, %eq3A_74 : i32
    %convert_element_type3A_76 = arith.extui %eq3A_75 : i1 to i32
    %cond3A_77 = arith.constant 0 : i32
    %cond3A_78 = arith.cmpi ne, %convert_element_type3A_76, %cond3A_77 : i32
    scf.if %cond3A_78 {
      %get3A_79 = arith.constant 0 : index
      %get3A_80 = arith.constant 0 : index
      %get3A_81 = vector.load %arg4[%get3A_79, %get3A_80] : memref<8x256xf32, #tpu.memory_space<vmem>>, vector<8x256xf32>
      %swap3A_82 = arith.constant 0 : index
      %swap3A_83 = arith.constant 0 : index
      %swap3A_84 = vector.load %arg3[%swap3A_82, %swap3A_83] : memref<32x256xf32, #tpu.memory_space<vmem>>, vector<8x256xf32>
      tpu.vector_store %arg3[%swap3A_82, %swap3A_83], %get3A_81 {strides = array<i32>} : memref<32x256xf32, #tpu.memory_space<vmem>>, vector<8x256xf32>,
      %get3A_85 = arith.constant 0 : index
      %get3A_86 = arith.constant 0 : index
      %get3A_87 = vector.load %arg5[%get3A_85, %get3A_86] : memref<8x256xf32, #tpu.memory_space<vmem>>, vector<8x256xf32>
      %swap3A_88 = arith.constant 8 : index
      %swap3A_89 = arith.constant 0 : index
      %swap3A_90 = vector.load %arg3[%swap3A_88, %swap3A_89] : memref<32x256xf32, #tpu.memory_space<vmem>>, vector<8x256xf32>
      tpu.vector_store %arg3[%swap3A_88, %swap3A_89], %get3A_87 {strides = array<i32>} : memref<32x256xf32, #tpu.memory_space<vmem>>, vector<8x256xf32>,
      %get3A_91 = arith.constant 0 : index
      %get3A_92 = arith.constant 0 : index
      %get3A_93 = vector.load %arg6[%get3A_91, %get3A_92] : memref<8x256xf32, #tpu.memory_space<vmem>>, vector<8x256xf32>
      %swap3A_94 = arith.constant 16 : index
      %swap3A_95 = arith.constant 0 : index
      %swap3A_96 = vector.load %arg3[%swap3A_94, %swap3A_95] : memref<32x256xf32, #tpu.memory_space<vmem>>, vector<8x256xf32>
      tpu.vector_store %arg3[%swap3A_94, %swap3A_95], %get3A_93 {strides = array<i32>} : memref<32x256xf32, #tpu.memory_space<vmem>>, vector<8x256xf32>,
      %get3A_97 = arith.constant 0 : index
      %get3A_98 = arith.constant 0 : index
      %get3A_99 = vector.load %arg7[%get3A_97, %get3A_98] : memref<8x256xf32, #tpu.memory_space<vmem>>, vector<8x256xf32>
      %swap3A_100 = arith.constant 24 : index
      %swap3A_101 = arith.constant 0 : index
      %swap3A_102 = vector.load %arg3[%swap3A_100, %swap3A_101] : memref<32x256xf32, #tpu.memory_space<vmem>>, vector<8x256xf32>
      tpu.vector_store %arg3[%swap3A_100, %swap3A_101], %get3A_99 {strides = array<i32>} : memref<32x256xf32, #tpu.memory_space<vmem>>, vector<8x256xf32>,
    } else {
    }
    return
  }
  func.func @transform_0(%arg0: i32) -> (i32, i32) {
    %add3A = arith.constant 0 : i32
    %add3A_0 = arith.addi %add3A, %arg0 : i32
    %c0_i32 = arith.constant 0 : i32
    %c0_i32_1 = arith.constant 0 : i32
    return %add3A_0, %c0_i32 : i32, i32
  }
  func.func @transform_1(%arg0: i32) -> (i32, i32) {
    %add3A = arith.constant 5 : i32
    %add3A_0 = arith.addi %add3A, %arg0 : i32
    %c0_i32 = arith.constant 0 : i32
    %c0_i32_1 = arith.constant 0 : i32
    return %add3A_0, %c0_i32 : i32, i32
  }
  func.func @transform_2(%arg0: i32) -> (i32, i32) {
    %c0_i32 = arith.constant 0 : i32
    %c0_i32_0 = arith.constant 0 : i32
    %c0_i32_1 = arith.constant 0 : i32
    return %c0_i32, %c0_i32_0 : i32, i32
  }
}

</mosaic_0001>

<sc_bundles>
// kernel: kernel.5.cloned.1.call-start
scs
__scs_entry_jumppad:
0x0: {  	(pc) =	sbr.rel $0x88, $3  }
0x1: {  	(tag) =	ssettag $0x0;
	lr =	simm.s32 $0x1  }
0x2: {  	[smem:$0x3F9E] =	sst lr;
	_ =	strace $0xD0000000  }
0x3: {  	_ = 	snop  }
0x4: {  	_ = 	snop  }
0x5: {  	_ = 	snop  }
0x6: {  	_ = 	snop  }
0x7: {  	_ = 	snop  }
__scs_overlays_trampoline_lowered:
0x8: {  	[smem:$0x3FAD] =	sst s0  }
0x9: {  	[smem:$0x3FAE] =	sst s1  }
0xa: {  	[smem:$0x3FAF] =	sst s2  }
0xb: {  	[smem:$0x3FB0] =	sst s3  }
0xc: {  	[smem:$0x3FB1] =	sst s4  }
0xd: {  	[smem:$0x3FB2] =	sst s5  }
0xe: {  	[smem:$0x3FB3] =	sst s6  }
0xf: {  	[smem:$0x3FB4] =	sst s7  }
0x10: {  	[smem:$0x3FB5] =	sst s8  }
0x11: {  	[smem:$0x3FB6] =	sst s9;
	s0 =	simm.s32 @!p0 $0x0  }
0x12: {  	s1 =	sld [smem:$0x3F9C];
	s0 =	simm.s32 @p0 $0x1  }
0x13: {  	[smem:$0x3FB7] =	sst s0;
	s0 =	simm.s32 @!p1 $0x0  }
0x14: {  	s2 =	sld [smem:$0x3F9B];
	s0 =	simm.s32 @p1 $0x1  }
0x15: {  	[smem:$0x3FB8] =	sst s0;
	s0 =	simm.s32 @!p2 $0x0  }
0x16: {  	s3 =	sld [smem:$0x3FDB];
	s0 =	simm.s32 @p2 $0x1  }
0x17: {  	s4 =	simm.s32 $0x1BF5;
	[smem:$0x3FBA] =	sst s0  }
0x18: {  	s0 =	sld [smem:$0x3F9D];
	_ =	swait.ge [sflag:s4], $0x0  }
0x19: {  	s7 =	sld [smem:$0x3F9E]  }
0x1a: {  	s8 =	sadd.s32 $0xFFFFE003, lr  }
0x1b: {  	s9 =	sadd.s32 $0xFFFFFEF7, lr;
	s5 =	simm.s32 $0xFFFFFFFF;
	p2 =	slt.u32 s8, $0xFFFFF086  }
0x1c: {  	p1 =	slt.u32 s9, $0xF7A;
	s5 =	simm.s32 @!p2 $0x0  }
0x1d: {  	s5 =	simm.s32 @p1 $0x1;
	p0 =	seq.s32 s7, s2  }
0x1e: {  	s7 =	smul.u32 @!p0 $0xF7A, s2;
	p2 =	seq.s32 @!p0 s5, $0x0  }
0x1f: {  	s9 =	smul.u32 $0xF7A, s1;
	s8 =	simm.s32 @!p0 $0x1BF5;
	p2 =	por !p2, p0  }
0x20: {  	[sflag:s8] =	ssyncset.s32 @!p0 $0xFFFFF086;
	s6 =	sadd.s32 @!p0 s3, s7;
	s7 =	simm.s32 @!p0 $0x108  }
0x21: {  	s3 =	sadd.s32 s3, s9;
	s6 =	sadd.s32 @!p0 $0x88, s6;
	s7 =	simm.s32 @p2 $0x1082  }
0x22: {  	[simem:s7], [sflag:s8] =	dma.local @!p0 [hbm:s6], $0xF7A  }
0x23: {  	s9 =	sor.u32 $0xD0000000, s2;
	s6 =	simm.s32 $0x108;
	_ =	swait.ge @!p0 [sflag:s8], $0x0  }
0x24: {  	s3 =	sadd.s32 $0x88, s3;
	s6 =	simm.s32 @!p1 $0x1082;
	[sflag:s4] =	ssyncset.s32 $0xFFFFF086  }
0x25: {  	[simem:s6], [sflag:s4] =	dma.local [hbm:s3], $0xF7A  }
0x26: {  	[smem:$0x3F9E] =	sst s1;
	(tag) =	ssettag s2;
	_ =	strace s9  }
0x27: {  	s1 =	sld [smem:$0x3FAE]  }
0x28: {  	s2 =	sld [smem:$0x3FAF]  }
0x29: {  	s4 =	sld [smem:$0x3FB1]  }
0x2a: {  	p0 =	seq.s32 s5, $0x0;
	s5 =	sld [smem:$0x3FB2]  }
0x2b: {  	s6 =	sld [smem:$0x3FB3]  }
0x2c: {  	s7 =	sld [smem:$0x3FB4]  }
0x2d: {  	s3 =	simm.s32 $0x108;
	s8 =	sld [smem:$0x3FB5]  }
0x2e: {  	s3 =	simm.s32 @!p0 $0x1082;
	s9 =	sld [smem:$0x3FB6]  }
0x2f: {  	lr =	sadd.s32 s0, s3;
	s0 =	sld [smem:$0x3FAD]  }
0x30: {  	s3 =	sld [smem:$0x3FB0]  }
0x31: {  	[smem:$0x3FB9] =	sst s10  }
0x32: {  	s10 =	sld [smem:$0x3FB7];
	_ =	sdelay $0x3  }
0x33: {  	p0 =	seq.s32 s10, $0x1;
	s10 =	sld [smem:$0x3FB9];
	_ =	sdelay $0x3  }
0x34: {  	[smem:$0x3FB9] =	sst s10  }
0x35: {  	s10 =	sld [smem:$0x3FB8];
	_ =	sdelay $0x3  }
0x36: {  	p1 =	seq.s32 s10, $0x1;
	s10 =	sld [smem:$0x3FB9];
	_ =	sdelay $0x3  }
0x37: {  	[smem:$0x3FB9] =	sst s10  }
0x38: {  	s10 =	sld [smem:$0x3FBA]  }
0x39: {  	_ = 	snop;
	(pc) =	sbr.ind lr, $3  }
0x3a: {  	_ = 	snop  }
0x3b: {  	_ = 	snop  }
0x3c: {  	p2 =	seq.s32 s10, $0x1;
	s10 =	sld [smem:$0x3FB9]  }
0x3d: {  	_ =	shalt  }
0x3e: {  	_ =	shalt  }
0x3f: {  	_ =	shalt  }
0x40: {  	_ =	shalt  }
0x41: {  	_ =	shalt  }
0x42: {  	_ =	shalt  }
0x43: {  	_ =	shalt  }
0x44: {  	_ =	shalt  }
0x45: {  	_ =	shalt  }
0x46: {  	_ =	shalt  }
0x47: {  	_ =	shalt  }
0x48: {  	_ =	shalt  }
0x49: {  	_ =	shalt  }
0x4a: {  	_ =	shalt  }
0x4b: {  	_ =	shalt  }
0x4c: {  	_ =	shalt  }
0x4d: {  	_ =	shalt  }
0x4e: {  	_ =	shalt  }
0x4f: {  	_ =	shalt  }
0x50: {  	_ =	shalt  }
0x51: {  	_ =	shalt  }
0x52: {  	_ =	shalt  }
0x53: {  	_ =	shalt  }
0x54: {  	_ =	shalt  }
0x55: {  	_ =	shalt  }
0x56: {  	_ =	shalt  }
0x57: {  	_ =	shalt  }
0x58: {  	_ =	shalt  }
0x59: {  	_ =	shalt  }
0x5a: {  	_ =	shalt  }
0x5b: {  	_ =	shalt  }
0x5c: {  	_ =	shalt  }
0x5d: {  	_ =	shalt  }
0x5e: {  	_ =	shalt  }
0x5f: {  	_ =	shalt  }
0x60: {  	_ =	shalt  }
0x61: {  	_ =	shalt  }
0x62: {  	_ =	shalt  }
0x63: {  	_ =	shalt  }
0x64: {  	_ =	shalt  }
0x65: {  	_ =	shalt  }
0x66: {  	_ =	shalt  }
0x67: {  	_ =	shalt  }
0x68: {  	_ =	shalt  }
0x69: {  	_ =	shalt  }
0x6a: {  	_ =	shalt  }
0x6b: {  	_ =	shalt  }
0x6c: {  	_ =	shalt  }
0x6d: {  	_ =	shalt  }
0x6e: {  	_ =	shalt  }
0x6f: {  	_ =	shalt  }
0x70: {  	_ =	shalt  }
0x71: {  	_ =	shalt  }
0x72: {  	_ =	shalt  }
0x73: {  	_ =	shalt  }
0x74: {  	_ =	shalt  }
0x75: {  	_ =	shalt  }
0x76: {  	_ =	shalt  }
0x77: {  	_ =	shalt  }
0x78: {  	_ =	shalt  }
0x79: {  	_ =	shalt  }
0x7a: {  	_ =	shalt  }
0x7b: {  	_ =	shalt  }
0x7c: {  	_ =	shalt  }
0x7d: {  	_ =	shalt  }
0x7e: {  	_ =	shalt  }
0x7f: {  	_ =	shalt  }
0x80: {  	_ =	shalt  }
0x81: {  	_ =	shalt  }
0x82: {  	_ =	shalt  }
0x83: {  	_ =	shalt  }
0x84: {  	_ =	shalt  }
0x85: {  	_ =	shalt  }
0x86: {  	_ =	shalt  }
0x87: {  	_ =	shalt  }
.Lfunc_end0:
.L_simem_size_0:
called_computation_lowered:
.L_overlay_start_0:
0x88: {  	s2 =	sld [smem:$0x3FD9]  }
0x89: {  	s3 =	sld [smem:$0x3FFE];
	_ =	sdelay $0x1  }
0x8a: {  	s1 =	srdreg.scid  }
0x8b: {  	s0 =	sand.u32 $0x1, s1  }
0x8c: {  	s17 =	sshll.u32 s0, $0xA;
	s2 =	sadd.s32 s3, s2  }
0x8d: {  	s2 =	sadd.s32 s2, s17  }
0x8e: {  	[smem:$0x3FC5] =	sst s2  }
0x8f: {  	_ = 	snop  }
0x90: {  	s2 =	sld [smem:$0x3FC9];
	(tm) =	ssettm $0x1  }
0x91: {  	s18 =	sld [smem:$0x3FFB];
	_ =	sdelay $0x3  }
0x92: {  	_ =	strace s18  }
0x93: {  	s3 =	sld [smem:$0x3FFC];
	_ =	sdelay $0x3  }
0x94: {  	_ =	strace s3  }
0x95: {  	s3 =	sld [smem:$0x3FFD];
	_ =	sdelay $0x3  }
0x96: {  	_ =	strace s3  }
0x97: {  	_ =	strace $0x8FFFFFFF  }
0x98: {  	s19 =	sld [smem:$0x3FDB];
	_ =	sdelay $0x1  }
0x99: {  	s4 =	simm.s32 $_scs_section_size  }
0x9a: {  	s5 =	simm.s32 $_size__tile_overlayer_lowered;
	s6 =	simm.s32 $_tile_overlayer_lowered  }
0x9b: {  	s22 =	simm.s32 $0x1BFF;
	s21 =	sshll.u32 s6, $0x1;
	s3 =	sadd.s32 s4, s19  }
0x9c: {  	s7 =	simm.s32 $0x0;
	s20 =	sshll.u32 s5, $0x1;
	s5 =	sadd.s32 s21, s3  }
0x9d: {  	[timem:s7], [sflag:s22] =	dma.local [hbm:s5], s20  }
0x9e: {  	_ =	swait.ge [sflag:s22], s20  }
0x9f: {  	s4 =	ssub.s32 $0x0, s20;
	[sflag:s22] =	ssyncset.done $0x0  }
0xa0: {  	[sflag:s22] =	ssyncadd.s32 s4;
	_ =	sdelay $0x1  }
0xa1: {  	s23 =	simm.s32 $0x1B8B  }
0xa2: {  	_ =	swait.ge [sflag:s23], $0x1  }
0xa3: {  	[sflag:s23] =	ssyncset.done $0x0  }
0xa4: {  	s25 =	simm.s32 $0x1B8E;
	s24 =	sld [smem:$0x3FFE];
	[sflag:s23] =	ssyncadd.s32 $0xFFFFFFFF  }
0xa5: {  	s26 =	simm.s32 $execute0_lowered;
	[smem:$0x3FD2] =	sst s25  }
0xa6: {  	s5 =	sshll.u32 s26, $0x1;
	_ =	strace $0x80000046;
	[dreg:$0x1] =	wrdreg $0xFFFFFFFF  }
0xa7: {  	s28 =	simm.s32 $_size_execute0_lowered;
	s3 =	sadd.s32 s3, s5;
	[dreg:$0x0] =	wrdreg $0x0  }
0xa8: {  	s5 =	sshll.u32 s28, $0x1;
	[dreg:$0x2] =	wrdreg s3  }
0xa9: {  	[dreg:$0x3] =	wrdreg s5  }
0xaa: {  	[dreg:$0x4] =	wrdreg $0xC0  }
0xab: {  	_ =	task [dreg:s7], $0x5FFFF  }
0xac: {  	[dreg:$0x1] =	wrdreg $0xFFFFFFFF  }
0xad: {  	[dreg:$0x0] =	wrdreg $0x60  }
0xae: {  	[dreg:$0x2] =	wrdreg s2  }
0xaf: {  	[dreg:$0x3] =	wrdreg s24  }
0xb0: {  	[dreg:$0x4] =	wrdreg $0x9  }
0xb1: {  	_ =	task.clear_ibuf [dreg:s7], $0x5FFFF;
	_ =	strace $0x90000046  }
0xb2: {  	s29 =	simm.s32 $0x9;
	_ =	strace $0x80000048  }
0xb3: {  	_ =	swait.ge [sflag:s29], $0x1  }
0xb4: {  	[sflag:s29] =	ssyncadd.s32 $0xFFFFFFFF  }
0xb5: {  	_ =	strace $0x90000048  }
0xb6: {  	_ =	sfence  }
0xb7: {  	s30 =	sld [smem:$0x0];
	_ =	sdelay $0x2  }
0xb8: {  	s31 =	sshll.u32 s1, $0xD;
	s1 =	sshrl.u32 s1, $0x2  }
0xb9: {  	s3 =	sand.u32 $0x4000, s31;
	s1 =	sadd.s32 s1, s30  }
0xba: {  	s0 =	sor.u32 s3, s0;
	s1 =	sshll.u32 s1, $0x11  }
0xbb: {  	s0 =	sor.u32 s1, s0  }
0xbc: {  	s0 =	sadd.s32 $0x8F2B, s0  }
0xbd: {  	[sflag:s0] =	ssyncadd.remote.s32 $0x1  }
0xbe: {  	_ =	sfence.sel $0xFFFF  }
0xbf: {  	[dreg:$0x0] =	wrdreg $0xFFFFFFFF;
	(pc) =	sbr.abs _section_cstart, $3  }
0xc0: {  	[dreg:$0x1] =	wrdreg $0xFFFFFFFF  }
0xc1: {  	_ =	task.clear_ibuf [dreg:s7], $0x2FFFF;
	_ =	strace $0x9FFFFFFF  }
0xc2: {  	(tm) =	ssettm $0x7FFFFFFF  }
0xc3: {  	_ =	shalt  }
tec
execute0_lowered:
.L_overlay_start_1:
0x0: {  	(tag) =	ssettag $0x1  }
0x1: {  	s1 =	srdreg.scid;
	s3 =	rddreg [dreg:$0x0]  }
0x2: {  	s0 =	stileid.u32;
	s5 =	rddreg [dreg:$0x1];
	s2 =	simm.s32 $0x0  }
0x3: {  	s9 =	simm.s32 $0x2;
	s4 =	sand.u32 $0x1, s1;
	s30 =	sshll.u32 s0, $0x1  }
0x4: {  	s10 =	simm.s32 $0x14000;
	s11 =	simm.s32 $0x3;
	s6 =	sor.u32 s4, s30  }
0x5: {  	s12 =	simm.s32 $0x0;
	[smem:$0x7FF] =	sst s2;
	s7 =	smul.u32 $0x14000, s6  }
0x6: {  	s1 =	rddreg [dreg:$0x2];
	_ =	strace $0x80000047;
	s4 =	ssub.s32 $0x2, s4  }
0x7: {  	s6 =	sshll.u32 s6, $0x4;
	s8 =	sshrl.u32 s4, $0x1;
	s7 =	sshrl.u32 s7, $0x3  }
0x8: {  	s5 =	sadd.s32 s6, s5;
	s31 =	ssub.s32 s4, s8;
	s7 =	sadd.s32 s3, s7  }
0x9: {  	s8 =	simm.s32 $0x1;
	s5 =	sadd.s32 $0xA00, s5;
	s3 =	sadd.s32 $0x136A00, s7  }
0xa: {  	s6 =	smax.u32 s31, $0x1;
	s4 =	sadd.s32 $0x137E00, s7;
	s7 =	simm.s32 $0xA000  }
.LBB2_1:
0xb: {  	[tilespmem:s2], [sflag:$0x1] =	stream.linear.gather [hbm4b:s3+s2], $0xA000, $0x38;
	[tilespmem:$0x14080] =	vst v63  }
0xc: {  	_ = 	snop  }
0xd: {  	[tilespmem:s7], [sflag:$0x2] =	stream.linear.gather [hbm4b:s4+s2], $0xA000, $0x38;
	[tilespmem:$0x14080] =	vst v63  }
0xe: {  	_ =	swait.ge [sflag:s8], $0xA000  }
0xf: {  	s13 =	sand.u32 $0xF800, s2;
	s14 =	sand.u32 $0x380, s2;
	[sflag:s8] =	ssyncset.done $0x0  }
0x10: {  	s13 =	sor.u32 s14, s13;
	[sflag:s8] =	ssyncadd.s32 $0xFFFF6000  }
0x11: {  	v3 =	vld [tilespmem:s13+$0x0];
	_ =	sdelay $0x1  }
0x12: {  	v4 =	vld [tilespmem:s13+$0x10];
	_ =	sdelay $0x1  }
0x13: {  	v5 =	vld [tilespmem:s13+$0x20]  }
0x14: {  	v1 =	vimm.f32 $0.0e+00;
	v0 =	vmul.f32 v3, v3  }
0x15: {  	v6 =	vld [tilespmem:s13+$0x30];
	v2 =	vadd.f32 v3, v1  }
0x16: {  	v0 =	vadd.f32 v0, v1;
	v1 =	vmul.f32 v4, v4  }
0x17: {  	v7 =	vld [tilespmem:s13+$0x40];
	v2 =	vadd.f32 v4, v2  }
0x18: {  	v0 =	vadd.f32 v1, v0;
	v1 =	vmul.f32 v5, v5  }
0x19: {  	v8 =	vld [tilespmem:s13+$0x50];
	v2 =	vadd.f32 v5, v2  }
0x1a: {  	v0 =	vadd.f32 v1, v0;
	v1 =	vmul.f32 v6, v6  }
0x1b: {  	v9 =	vld [tilespmem:s13+$0x60];
	v2 =	vadd.f32 v6, v2  }
0x1c: {  	v10 =	vimm.f32 $-Inf;
	v11 =	vld [tilespmem:s13+$0x70];
	v0 =	vadd.f32 v1, v0;
	v1 =	vmul.f32 v7, v7  }
0x1d: {  	v13 =	vld [tilespmem:s13+$0x400];
	v10 =	vmax.f32 v10, v3;
	v2 =	vadd.f32 v7, v2  }
0x1e: {  	v12 =	vmul.f32 v8, v8;
	v10 =	vmax.f32 v10, v4;
	v0 =	vadd.f32 v1, v0  }
0x1f: {  	v1 =	vmax.f32 v10, v5;
	v2 =	vadd.f32 v8, v2  }
0x20: {  	v10 =	vmul.f32 v9, v9;
	v1 =	vmax.f32 v1, v6;
	v12 =	vadd.f32 v12, v0  }
0x21: {  	v14 =	vmul.f32 v11, v11;
	v0 =	vld [tilespmem:s13+$0x410];
	v1 =	vmax.f32 v1, v7;
	v2 =	vadd.f32 v9, v2  }
0x22: {  	v16 =	vmul.f32 v13, v13;
	v15 =	vmax.f32 v1, v8;
	v1 =	vld [tilespmem:s13+$0x420];
	v10 =	vadd.f32 v10, v12  }
0x23: {  	v12 =	vimm.f32 $+Inf;
	v15 =	vmax.f32 v15, v9;
	v17 =	vadd.f32 v11, v2  }
0x24: {  	v2 =	vld [tilespmem:s13+$0x430];
	v15 =	vmax.f32 v15, v11;
	v3 =	vmin.f32 v12, v3;
	v10 =	vadd.f32 v14, v10  }
0x25: {  	v12 =	vmax.f32 v15, v13;
	v4 =	vmin.f32 v3, v4;
	v15 =	vadd.f32 v13, v17  }
0x26: {  	v3 =	vld [tilespmem:s13+$0x440];
	v14 =	vmul.f32 v0, v0;
	v4 =	vmin.f32 v4, v5;
	v10 =	vadd.f32 v16, v10  }
0x27: {  	v5 =	vmax.f32 v12, v0;
	v12 =	vmul.f32 v1, v1;
	v6 =	vmin.f32 v4, v6  }
0x28: {  	v15 =	vadd.f32 v0, v15;
	v4 =	vld [tilespmem:s13+$0x450];
	v6 =	vmin.f32 v6, v7;
	v10 =	vadd.f32 v14, v10  }
0x29: {  	v5 =	vmax.f32 v5, v1;
	v14 =	vmul.f32 v2, v2;
	v6 =	vmin.f32 v6, v8  }
0x2a: {  	v8 =	vadd.f32 v1, v15;
	v15 =	vmax.f32 v5, v2;
	v5 =	vld [tilespmem:s13+$0x460];
	v12 =	vadd.f32 v12, v10  }
0x2b: {  	s15 =	simm.s32 $0x100;
	s14 =	simm.s32 $0x80;
	v6 =	vmin.f32 v6, v9;
	v7 =	vmul.f32 v3, v3  }
0x2c: {  	s15 =	sand.u32 $0xF800, s15;
	s16 =	sand.u32 $0x380, s14;
	v9 =	vmin.f32 v6, v11;
	v10 =	vadd.f32 v2, v8;
	v6 =	vld [tilespmem:s13+$0x470];
	v11 =	vadd.f32 v14, v12  }
0x2d: {  	s13 =	sor.u32 s16, s15;
	s15 =	simm.s32 $0x200;
	v8 =	vmax.f32 v15, v3;
	v9 =	vmin.f32 v9, v13;
	v12 =	vmul.f32 v4, v4  }
.LBB2_2:
0x2e: {  	p0 =	sne.s32 s15, $0x9F00;
	v13 =	vld [tilespmem:s13+$0x0];
	v0 =	vmin.f32 v9, v0;
	v9 =	vadd.f32 v3, v10;
	v7 =	vadd.f32 v7, v11  }
0x2f: {  	v0 =	vmin.f32 v0, v1;
	v1 =	vmax.f32 v8, v4;
	v8 =	vmul.f32 v5, v5  }
0x30: {  	v0 =	vmin.f32 v0, v2;
	v2 =	vadd.f32 v4, v9;
	v7 =	vadd.f32 v12, v7  }
0x31: {  	v1 =	vmax.f32 v1, v5;
	v9 =	vld [tilespmem:s13+$0x10];
	v0 =	vmin.f32 v0, v3;
	v3 =	vmul.f32 v6, v6  }
0x32: {  	v0 =	vmin.f32 v0, v4;
	v2 =	vadd.f32 v5, v2;
	v4 =	vadd.f32 v8, v7  }
0x33: {  	v1 =	vmax.f32 v1, v6;
	v7 =	vmul.f32 v13, v13;
	v8 =	vld [tilespmem:s13+$0x20];
	v0 =	vmin.f32 v0, v5  }
0x34: {  	v5 =	vmin.f32 v0, v6;
	v0 =	vadd.f32 v6, v2;
	v2 =	vadd.f32 v3, v4  }
0x35: {  	v4 =	vld [tilespmem:s13+$0x30]  }
0x36: {  	v0 =	vadd.f32 v13, v0;
	v2 =	vadd.f32 v7, v2;
	v3 =	vmul.f32 v9, v9  }
0x37: {  	v6 =	vld [tilespmem:s13+$0x40]  }
0x38: {  	v0 =	vadd.f32 v9, v0;
	v2 =	vadd.f32 v3, v2;
	v3 =	vmul.f32 v8, v8;
	v7 =	vld [tilespmem:s13+$0x50];
	_ =	sdelay $0x1  }
0x39: {  	v0 =	vadd.f32 v8, v0;
	v2 =	vadd.f32 v3, v2;
	v3 =	vmul.f32 v4, v4;
	v10 =	vld [tilespmem:s13+$0x60];
	_ =	sdelay $0x1  }
0x3a: {  	v0 =	vadd.f32 v4, v0;
	v2 =	vadd.f32 v3, v2;
	v3 =	vmul.f32 v6, v6;
	v11 =	vld [tilespmem:s13+$0x70]  }
0x3b: {  	v1 =	vmax.f32 v1, v13;
	v12 =	vmul.f32 v7, v7  }
0x3c: {  	v1 =	vmax.f32 v1, v9;
	v0 =	vadd.f32 v6, v0;
	v2 =	vadd.f32 v3, v2;
	v14 =	vld [tilespmem:s13+$0x400]  }
0x3d: {  	v1 =	vmax.f32 v1, v8;
	v3 =	vmul.f32 v10, v10  }
0x3e: {  	v1 =	vmax.f32 v1, v4;
	v15 =	vadd.f32 v7, v0;
	v2 =	vadd.f32 v12, v2;
	v0 =	vld [tilespmem:s13+$0x410]  }
0x3f: {  	v1 =	vmax.f32 v1, v6;
	v12 =	vmul.f32 v11, v11  }
0x40: {  	v16 =	vmax.f32 v1, v7;
	v15 =	vadd.f32 v10, v15;
	v2 =	vadd.f32 v3, v2;
	v1 =	vld [tilespmem:s13+$0x420]  }
0x41: {  	v3 =	vmax.f32 v16, v10;
	v16 =	vmul.f32 v14, v14  }
0x42: {  	v3 =	vmax.f32 v3, v11;
	v15 =	vadd.f32 v11, v15;
	v12 =	vadd.f32 v12, v2;
	v2 =	vld [tilespmem:s13+$0x430]  }
0x43: {  	v5 =	vmin.f32 v5, v13;
	v13 =	vmax.f32 v3, v14;
	v17 =	vmul.f32 v0, v0  }
0x44: {  	v5 =	vmin.f32 v5, v9;
	v9 =	vadd.f32 v14, v15;
	v12 =	vadd.f32 v16, v12;
	v3 =	vld [tilespmem:s13+$0x440]  }
0x45: {  	v5 =	vmin.f32 v5, v8;
	v8 =	vmax.f32 v13, v0;
	v13 =	vmul.f32 v1, v1  }
0x46: {  	v5 =	vmin.f32 v5, v4;
	v9 =	vadd.f32 v0, v9;
	v12 =	vadd.f32 v17, v12;
	v4 =	vld [tilespmem:s13+$0x450]  }
.Ltmp0:
0x47: {  	v5 =	vmin.f32 v5, v6;
	v6 =	vmax.f32 v8, v1;
	v8 =	vmul.f32 v2, v2;
	(pc) =	sbr.rel @p0 .LBB2_2-.Ltmp0, $4  }
0x48: {  	v7 =	vmin.f32 v5, v7;
	v9 =	vadd.f32 v1, v9;
	v12 =	vadd.f32 v13, v12;
	v5 =	vld [tilespmem:s13+$0x460]  }
0x49: {  	s14 =	sadd.s32 $0x80, s14;
	v10 =	vmin.f32 v7, v10;
	v13 =	vmax.f32 v6, v2;
	v7 =	vmul.f32 v3, v3  }
0x4a: {  	s16 =	sand.u32 $0xF800, s15;
	s17 =	sand.u32 $0x380, s14;
	v15 =	vmin.f32 v10, v11;
	v10 =	vadd.f32 v2, v9;
	v11 =	vadd.f32 v8, v12;
	v6 =	vld [tilespmem:s13+$0x470]  }
0x4b: {  	s15 =	sadd.s32 $0x100, s15;
	s13 =	sor.u32 s17, s16;
	v9 =	vmin.f32 v15, v14;
	v8 =	vmax.f32 v13, v3;
	v12 =	vmul.f32 v4, v4  }
0x4c: {  	v10 =	vadd.f32 v3, v10;
	v7 =	vadd.f32 v7, v11  }
0x4d: {  	v11 =	vld [tilespmem:s13+$0x0]  }
0x4e: {  	v13 =	vmul.f32 v5, v5;
	v10 =	vadd.f32 v4, v10;
	v7 =	vadd.f32 v12, v7  }
0x4f: {  	v12 =	vld [tilespmem:s13+$0x10]  }
0x50: {  	v14 =	vmul.f32 v6, v6;
	v10 =	vadd.f32 v5, v10;
	v7 =	vadd.f32 v13, v7  }
0x51: {  	v13 =	vld [tilespmem:s13+$0x20]  }
0x52: {  	v15 =	vmul.f32 v11, v11;
	v10 =	vadd.f32 v6, v10;
	v7 =	vadd.f32 v14, v7  }
0x53: {  	v0 =	vmin.f32 v9, v0;
	v14 =	vld [tilespmem:s13+$0x30]  }
0x54: {  	v10 =	vadd.f32 v11, v10;
	v7 =	vadd.f32 v15, v7;
	v15 =	vmul.f32 v12, v12  }
0x55: {  	v8 =	vmax.f32 v8, v4;
	v9 =	vld [tilespmem:s13+$0x40];
	v0 =	vmin.f32 v0, v1  }
0x56: {  	v10 =	vadd.f32 v12, v10;
	v7 =	vadd.f32 v15, v7;
	v15 =	vmul.f32 v13, v13  }
0x57: {  	v1 =	vmax.f32 v8, v5;
	v8 =	vld [tilespmem:s13+$0x50];
	v0 =	vmin.f32 v0, v2  }
0x58: {  	v10 =	vadd.f32 v13, v10;
	v7 =	vadd.f32 v15, v7;
	v15 =	vmul.f32 v14, v14  }
0x59: {  	v2 =	vld [tilespmem:s13+$0x60];
	v0 =	vmin.f32 v0, v3  }
0x5a: {  	v10 =	vadd.f32 v14, v10;
	v7 =	vadd.f32 v15, v7;
	v15 =	vmul.f32 v9, v9  }
0x5b: {  	v1 =	vmax.f32 v1, v6;
	v3 =	vld [tilespmem:s13+$0x70];
	v0 =	vmin.f32 v0, v4  }
0x5c: {  	v16 =	vmul.f32 v8, v8;
	v10 =	vadd.f32 v9, v10;
	v7 =	vadd.f32 v15, v7  }
0x5d: {  	v4 =	vld [tilespmem:s13+$0x400];
	v1 =	vmax.f32 v1, v11;
	v0 =	vmin.f32 v0, v5  }
0x5e: {  	v5 =	vld [tilespmem:s13+$0x410];
	v15 =	vmul.f32 v2, v2;
	v10 =	vadd.f32 v8, v10;
	v7 =	vadd.f32 v16, v7  }
0x5f: {  	v1 =	vmax.f32 v1, v12  }
0x60: {  	v61 =	vmul.f32 v3, v3;
	v10 =	vadd.f32 v2, v10;
	v7 =	vadd.f32 v15, v7  }
0x61: {  	v0 =	vmin.f32 v0, v6;
	v6 =	vld [tilespmem:s13+$0x420];
	v1 =	vmax.f32 v1, v13  }
0x62: {  	v62 =	vld [tilespmem:s13+$0x430];
	v15 =	vmul.f32 v4, v4;
	v10 =	vadd.f32 v3, v10;
	v7 =	vadd.f32 v61, v7  }
0x63: {  	v0 =	vmin.f32 v0, v11;
	v11 =	vmul.f32 v5, v5;
	v1 =	vmax.f32 v1, v14  }
0x64: {  	v1 =	vmax.f32 v1, v9;
	v10 =	vadd.f32 v4, v10;
	v7 =	vadd.f32 v15, v7  }
0x65: {  	v0 =	vmin.f32 v0, v12;
	v12 =	vld [tilespmem:s13+$0x440];
	v1 =	vmax.f32 v1, v8  }
0x66: {  	v15 =	vmul.f32 v6, v6;
	v10 =	vadd.f32 v5, v10;
	v7 =	vadd.f32 v11, v7  }
0x67: {  	v0 =	vmin.f32 v0, v13;
	v13 =	vmul.f32 v62, v62;
	v1 =	vmax.f32 v1, v2;
	v11 =	vld [tilespmem:s13+$0x450]  }
0x68: {  	v1 =	vmax.f32 v1, v3;
	v10 =	vadd.f32 v6, v10;
	v7 =	vadd.f32 v15, v7  }
0x69: {  	v0 =	vmin.f32 v0, v14;
	v1 =	vmax.f32 v1, v4;
	v15 =	vld [tilespmem:s13+$0x460]  }
0x6a: {  	s31 =	simm.s32 $0x0;
	v14 =	vld [tilespmem:s13+$0x470];
	_ =	swait.ge [sflag:s9], $0xA000;
	v7 =	vadd.f32 v13, v7;
	v13 =	vmul.f32 v12, v12;
	v10 =	vadd.f32 v62, v10  }
0x6b: {  	s14 =	sand.u32 $0xF800, s31;
	v0 =	vmin.f32 v0, v9;
	v1 =	vmax.f32 v1, v5;
	s13 =	sand.u32 $0x380, s31;
	[sflag:s9] =	ssyncset.done $0x0  }
0x6c: {  	s13 =	sor.u32 s13, s14;
	[sflag:s9] =	ssyncadd.s32 $0xFFFF6000;
	v9 =	vmul.f32 v11, v11;
	v10 =	vadd.f32 v12, v10;
	v7 =	vadd.f32 v13, v7  }
0x6d: {  	v0 =	vmin.f32 v0, v8;
	v1 =	vmax.f32 v1, v6;
	v8 =	vld [tilespmem:s13+$0xA000]  }
0x6e: {  	v13 =	vmul.f32 v15, v15;
	v10 =	vadd.f32 v11, v10;
	v7 =	vadd.f32 v9, v7  }
0x6f: {  	v0 =	vmin.f32 v0, v2;
	v1 =	vmax.f32 v1, v62;
	v9 =	vld [tilespmem:s13+$0xA010]  }
0x70: {  	v2 =	vmul.f32 v14, v14;
	v10 =	vadd.f32 v15, v10;
	v7 =	vadd.f32 v13, v7  }
0x71: {  	v0 =	vmin.f32 v0, v3;
	v1 =	vmax.f32 v1, v12;
	v13 =	vld [tilespmem:s13+$0xA020]  }
0x72: {  	v3 =	vadd.f32 v14, v10;
	v2 =	vadd.f32 v2, v7;
	v7 =	vmul.f32 v8, v8  }
0x73: {  	v0 =	vmin.f32 v0, v4;
	v4 =	vld [tilespmem:s13+$0xA030];
	v1 =	vmax.f32 v1, v11  }
0x74: {  	v3 =	vadd.f32 v8, v3;
	v2 =	vadd.f32 v7, v2;
	v7 =	vmul.f32 v9, v9  }
0x75: {  	v0 =	vmin.f32 v0, v5;
	v5 =	vld [tilespmem:s13+$0xA040];
	v1 =	vmax.f32 v1, v15  }
0x76: {  	v3 =	vadd.f32 v9, v3;
	v2 =	vadd.f32 v7, v2;
	v7 =	vmul.f32 v13, v13  }
0x77: {  	v0 =	vmin.f32 v0, v6;
	v1 =	vmax.f32 v1, v14;
	v10 =	vld [tilespmem:s13+$0xA050]  }
0x78: {  	v6 =	vmul.f32 v4, v4;
	v3 =	vadd.f32 v13, v3;
	v2 =	vadd.f32 v7, v2;
	v7 =	vld [tilespmem:s13+$0xA060]  }
0x79: {  	v0 =	vmin.f32 v0, v62;
	v1 =	vmax.f32 v1, v8  }
0x7a: {  	v3 =	vadd.f32 v4, v3;
	v2 =	vadd.f32 v6, v2;
	v6 =	vmul.f32 v5, v5  }
0x7b: {  	v0 =	vmin.f32 v0, v12;
	v63 =	vld [tilespmem:s13+$0xA070];
	v1 =	vmax.f32 v1, v9  }
0x7c: {  	v12 =	vmul.f32 v10, v10;
	v3 =	vadd.f32 v5, v3;
	v2 =	vadd.f32 v6, v2  }
0x7d: {  	v17 =	vld [tilespmem:s13+$0xA400];
	v6 =	vmin.f32 v0, v11;
	v0 =	vmax.f32 v1, v13;
	v1 =	vmul.f32 v7, v7  }
0x7e: {  	v11 =	vmax.f32 v0, v4;
	v6 =	vmin.f32 v6, v15;
	v3 =	vadd.f32 v10, v3  }
0x7f: {  	v0 =	vld [tilespmem:s13+$0xA410];
	v2 =	vadd.f32 v12, v2;
	v11 =	vmax.f32 v11, v5;
	v6 =	vmin.f32 v6, v14  }
0x80: {  	v12 =	vmul.f32 v63, v63;
	v11 =	vmax.f32 v11, v10;
	v6 =	vmin.f32 v6, v8  }
0x81: {  	v3 =	vadd.f32 v7, v3;
	v2 =	vadd.f32 v1, v2;
	v11 =	vmax.f32 v11, v7  }
0x82: {  	v14 =	vmul.f32 v17, v17;
	v1 =	vld [tilespmem:s13+$0xA420];
	v6 =	vmin.f32 v6, v9;
	v11 =	vmax.f32 v11, v63  }
0x83: {  	v6 =	vmin.f32 v6, v13;
	v3 =	vadd.f32 v63, v3;
	v12 =	vadd.f32 v12, v2  }
0x84: {  	v2 =	vld [tilespmem:s13+$0xA430];
	v8 =	vmax.f32 v11, v17;
	v11 =	vmul.f32 v0, v0;
	v6 =	vmin.f32 v6, v4  }
0x85: {  	v5 =	vmin.f32 v6, v5;
	v9 =	vadd.f32 v17, v3;
	v12 =	vadd.f32 v14, v12  }
0x86: {  	v8 =	vmax.f32 v8, v0;
	v3 =	vld [tilespmem:s13+$0xA440];
	v5 =	vmin.f32 v5, v10  }
0x87: {  	v4 =	vld [tilespmem:s13+$0xA450];
	v13 =	vmul.f32 v1, v1;
	v9 =	vadd.f32 v0, v9;
	v11 =	vadd.f32 v11, v12  }
0x88: {  	v6 =	vmax.f32 v8, v1;
	v7 =	vmin.f32 v5, v7  }
0x89: {  	v5 =	vld [tilespmem:s13+$0xA460];
	v12 =	vmul.f32 v2, v2;
	v9 =	vadd.f32 v1, v9;
	v11 =	vadd.f32 v13, v11  }
0x8a: {  	s15 =	simm.s32 $0x100;
	s14 =	simm.s32 $0x80;
	v7 =	vmin.f32 v7, v63;
	v13 =	vmax.f32 v6, v2  }
0x8b: {  	s15 =	sand.u32 $0xF800, s15;
	s16 =	sand.u32 $0x380, s14;
	v6 =	vld [tilespmem:s13+$0xA470];
	v8 =	vmul.f32 v3, v3;
	v10 =	vadd.f32 v2, v9;
	v11 =	vadd.f32 v12, v11  }
0x8c: {  	s13 =	sor.u32 s16, s15;
	s15 =	simm.s32 $0x200;
	v9 =	vmin.f32 v7, v17;
	v7 =	vmax.f32 v13, v3;
	v12 =	vmul.f32 v4, v4  }
.LBB2_4:
0x8d: {  	p0 =	sne.s32 s15, $0x9F00;
	v13 =	vld [tilespmem:s13+$0xA000];
	v0 =	vmin.f32 v9, v0;
	v9 =	vadd.f32 v3, v10;
	v8 =	vadd.f32 v8, v11  }
0x8e: {  	v0 =	vmin.f32 v0, v1;
	v1 =	vmax.f32 v7, v4;
	v7 =	vmul.f32 v5, v5  }
0x8f: {  	v0 =	vmin.f32 v0, v2;
	v2 =	vadd.f32 v4, v9;
	v8 =	vadd.f32 v12, v8  }
0x90: {  	v1 =	vmax.f32 v1, v5;
	v9 =	vld [tilespmem:s13+$0xA010];
	v0 =	vmin.f32 v0, v3;
	v3 =	vmul.f32 v6, v6  }
0x91: {  	v0 =	vmin.f32 v0, v4;
	v2 =	vadd.f32 v5, v2;
	v4 =	vadd.f32 v7, v8  }
0x92: {  	v1 =	vmax.f32 v1, v6;
	v7 =	vmul.f32 v13, v13;
	v8 =	vld [tilespmem:s13+$0xA020];
	v0 =	vmin.f32 v0, v5  }
0x93: {  	v5 =	vmin.f32 v0, v6;
	v0 =	vadd.f32 v6, v2;
	v2 =	vadd.f32 v3, v4  }
0x94: {  	v4 =	vld [tilespmem:s13+$0xA030]  }
0x95: {  	v0 =	vadd.f32 v13, v0;
	v2 =	vadd.f32 v7, v2;
	v3 =	vmul.f32 v9, v9  }
0x96: {  	v6 =	vld [tilespmem:s13+$0xA040]  }
0x97: {  	v0 =	vadd.f32 v9, v0;
	v2 =	vadd.f32 v3, v2;
	v3 =	vmul.f32 v8, v8;
	v7 =	vld [tilespmem:s13+$0xA050];
	_ =	sdelay $0x1  }
0x98: {  	v0 =	vadd.f32 v8, v0;
	v2 =	vadd.f32 v3, v2;
	v3 =	vmul.f32 v4, v4;
	v10 =	vld [tilespmem:s13+$0xA060];
	_ =	sdelay $0x1  }
0x99: {  	v0 =	vadd.f32 v4, v0;
	v2 =	vadd.f32 v3, v2;
	v3 =	vmul.f32 v6, v6;
	v11 =	vld [tilespmem:s13+$0xA070]  }
0x9a: {  	v1 =	vmax.f32 v1, v13;
	v12 =	vmul.f32 v7, v7  }
0x9b: {  	v1 =	vmax.f32 v1, v9;
	v0 =	vadd.f32 v6, v0;
	v2 =	vadd.f32 v3, v2;
	v14 =	vld [tilespmem:s13+$0xA400]  }
0x9c: {  	v1 =	vmax.f32 v1, v8;
	v3 =	vmul.f32 v10, v10  }
0x9d: {  	v1 =	vmax.f32 v1, v4;
	v15 =	vadd.f32 v7, v0;
	v2 =	vadd.f32 v12, v2;
	v0 =	vld [tilespmem:s13+$0xA410]  }
0x9e: {  	v1 =	vmax.f32 v1, v6;
	v12 =	vmul.f32 v11, v11  }
0x9f: {  	v16 =	vmax.f32 v1, v7;
	v15 =	vadd.f32 v10, v15;
	v2 =	vadd.f32 v3, v2;
	v1 =	vld [tilespmem:s13+$0xA420]  }
0xa0: {  	v3 =	vmax.f32 v16, v10;
	v16 =	vmul.f32 v14, v14  }
0xa1: {  	v3 =	vmax.f32 v3, v11;
	v15 =	vadd.f32 v11, v15;
	v12 =	vadd.f32 v12, v2;
	v2 =	vld [tilespmem:s13+$0xA430]  }
0xa2: {  	v5 =	vmin.f32 v5, v13;
	v13 =	vmax.f32 v3, v14;
	v17 =	vmul.f32 v0, v0  }
0xa3: {  	v5 =	vmin.f32 v5, v9;
	v9 =	vadd.f32 v14, v15;
	v12 =	vadd.f32 v16, v12;
	v3 =	vld [tilespmem:s13+$0xA440]  }
0xa4: {  	v5 =	vmin.f32 v5, v8;
	v8 =	vmax.f32 v13, v0;
	v13 =	vmul.f32 v1, v1  }
0xa5: {  	v5 =	vmin.f32 v5, v4;
	v9 =	vadd.f32 v0, v9;
	v12 =	vadd.f32 v17, v12;
	v4 =	vld [tilespmem:s13+$0xA450]  }
.Ltmp1:
0xa6: {  	v5 =	vmin.f32 v5, v6;
	v6 =	vmax.f32 v8, v1;
	v15 =	vmul.f32 v2, v2;
	(pc) =	sbr.rel @p0 .LBB2_4-.Ltmp1, $4  }
0xa7: {  	v7 =	vmin.f32 v5, v7;
	v9 =	vadd.f32 v1, v9;
	v12 =	vadd.f32 v13, v12;
	v5 =	vld [tilespmem:s13+$0xA460]  }
0xa8: {  	s14 =	sadd.s32 $0x80, s14;
	v7 =	vmin.f32 v7, v10;
	v13 =	vmax.f32 v6, v2;
	v8 =	vmul.f32 v3, v3  }
0xa9: {  	s16 =	sand.u32 $0xF800, s15;
	s17 =	sand.u32 $0x380, s14;
	v7 =	vmin.f32 v7, v11;
	v10 =	vadd.f32 v2, v9;
	v11 =	vadd.f32 v15, v12;
	v6 =	vld [tilespmem:s13+$0xA470]  }
0xaa: {  	s15 =	sadd.s32 $0x100, s15;
	s13 =	sor.u32 s17, s16;
	v9 =	vmin.f32 v7, v14;
	v7 =	vmax.f32 v13, v3;
	v12 =	vmul.f32 v4, v4  }
0xab: {  	v10 =	vadd.f32 v3, v10  }
0xac: {  	v8 =	vadd.f32 v8, v11  }
0xad: {  	v30 =	vld [tilespmem:s13+$0xA000];
	v10 =	vadd.f32 v4, v10  }
0xae: {  	v31 =	vld [tilespmem:s13+$0xA010];
	v13 =	vmul.f32 v5, v5;
	v8 =	vadd.f32 v12, v8  }
0xaf: {  	v32 =	vld [tilespmem:s13+$0xA020];
	v10 =	vadd.f32 v5, v10  }
0xb0: {  	v33 =	vld [tilespmem:s13+$0xA030];
	v14 =	vmul.f32 v6, v6;
	v8 =	vadd.f32 v13, v8  }
0xb1: {  	v35 =	vld [tilespmem:s13+$0xA040];
	v10 =	vadd.f32 v6, v10  }
0xb2: {  	v38 =	vld [tilespmem:s13+$0xA050];
	v15 =	vmul.f32 v30, v30;
	v8 =	vadd.f32 v14, v8  }
0xb3: {  	v41 =	vld [tilespmem:s13+$0xA060];
	v10 =	vadd.f32 v30, v10  }
0xb4: {  	v43 =	vld [tilespmem:s13+$0xA070];
	v34 =	vmul.f32 v31, v31;
	v8 =	vadd.f32 v15, v8  }
0xb5: {  	v0 =	vmin.f32 v9, v0;
	v45 =	vld [tilespmem:s13+$0xA400];
	v10 =	vadd.f32 v31, v10  }
0xb6: {  	v7 =	vmax.f32 v7, v4;
	v48 =	vld [tilespmem:s13+$0xA410];
	v37 =	vmul.f32 v32, v32;
	v36 =	vadd.f32 v34, v8  }
0xb7: {  	v50 =	vld [tilespmem:s13+$0xA420];
	v0 =	vmin.f32 v0, v1;
	v7 =	vmax.f32 v7, v5;
	v10 =	vadd.f32 v32, v10  }
0xb8: {  	v51 =	vld [tilespmem:s13+$0xA430];
	v0 =	vmin.f32 v0, v2;
	v39 =	vmul.f32 v33, v33;
	v1 =	vadd.f32 v37, v36  }
0xb9: {  	v53 =	vld [tilespmem:s13+$0xA440];
	v0 =	vmin.f32 v0, v3;
	v40 =	vmax.f32 v7, v6;
	v10 =	vadd.f32 v33, v10  }
0xba: {  	v55 =	vld [tilespmem:s13+$0xA450];
	v0 =	vmin.f32 v0, v4;
	v42 =	vmul.f32 v35, v35;
	v1 =	vadd.f32 v39, v1  }
0xbb: {  	v58 =	vld [tilespmem:s13+$0xA460];
	v3 =	vmax.f32 v40, v30;
	v44 =	vmul.f32 v38, v38;
	v10 =	vadd.f32 v35, v10  }
0xbc: {  	v60 =	vld [tilespmem:s13+$0xA470];
	v0 =	vmin.f32 v0, v5;
	v47 =	vmul.f32 v41, v41;
	v1 =	vadd.f32 v42, v1  }
0xbd: {  	v49 =	vmul.f32 v43, v43;
	v16 =	vmul.f32 v45, v45;
	v46 =	vadd.f32 v38, v10  }
0xbe: {  	v52 =	vmul.f32 v48, v48;
	v54 =	vmul.f32 v50, v50;
	v1 =	vadd.f32 v44, v1  }
0xbf: {  	v56 =	vmul.f32 v51, v51;
	v59 =	vmul.f32 v53, v53;
	v5 =	vadd.f32 v41, v46  }
0xc0: {  	v61 =	vmul.f32 v55, v55;
	v62 =	vmul.f32 v58, v58;
	v1 =	vadd.f32 v47, v1  }
0xc1: {  	v63 =	vmul.f32 v60, v60;
	v0 =	vmin.f32 v0, v6;
	v5 =	vadd.f32 v43, v5  }
0xc2: {  	v3 =	vmax.f32 v3, v31;
	v0 =	vmin.f32 v0, v30;
	v1 =	vadd.f32 v49, v1  }
0xc3: {  	v3 =	vmax.f32 v3, v32;
	v0 =	vmin.f32 v0, v31;
	v5 =	vadd.f32 v45, v5  }
0xc4: {  	v3 =	vmax.f32 v3, v33;
	v0 =	vmin.f32 v0, v32;
	v1 =	vadd.f32 v16, v1  }
0xc5: {  	v3 =	vmax.f32 v3, v35;
	v0 =	vmin.f32 v0, v33;
	v5 =	vadd.f32 v48, v5  }
0xc6: {  	v3 =	vmax.f32 v3, v38;
	v0 =	vmin.f32 v0, v35;
	v1 =	vadd.f32 v52, v1  }
0xc7: {  	v3 =	vmax.f32 v3, v41;
	v0 =	vmin.f32 v0, v38;
	v57 =	vadd.f32 v50, v5  }
0xc8: {  	v3 =	vmax.f32 v3, v43;
	v0 =	vmin.f32 v0, v41;
	v1 =	vadd.f32 v54, v1  }
0xc9: {  	v3 =	vmax.f32 v3, v45;
	v0 =	vmin.f32 v0, v43;
	v2 =	vadd.f32 v51, v57  }
0xca: {  	v3 =	vmax.f32 v3, v48;
	v0 =	vmin.f32 v0, v45;
	v1 =	vadd.f32 v56, v1  }
0xcb: {  	v3 =	vmax.f32 v3, v50;
	v0 =	vmin.f32 v0, v48;
	v2 =	vadd.f32 v53, v2  }
0xcc: {  	v3 =	vmax.f32 v3, v51;
	v0 =	vmin.f32 v0, v50;
	v1 =	vadd.f32 v59, v1  }
0xcd: {  	v3 =	vmax.f32 v3, v53;
	v0 =	vmin.f32 v0, v51;
	v2 =	vadd.f32 v55, v2  }
0xce: {  	v3 =	vmax.f32 v3, v55;
	v0 =	vmin.f32 v0, v53;
	v1 =	vadd.f32 v61, v1  }
0xcf: {  	v3 =	vmax.f32 v3, v58;
	v0 =	vmin.f32 v0, v55;
	v2 =	vadd.f32 v58, v2  }
0xd0: {  	v3 =	vmax.f32 v3, v60;
	v0 =	vmin.f32 v0, v58;
	v1 =	vadd.f32 v62, v1  }
0xd1: {  	[tilespmem:$0x14000] =	vst v3;
	v0 =	vmin.f32 v0, v60;
	v2 =	vadd.f32 v60, v2  }
0xd2: {  	s12 =	sadd.s32 $0x1, s12;
	[tilespmem:$0x14010] =	vst v0;
	v1 =	vadd.f32 v63, v1  }
0xd3: {  	p0 =	sne.s32 s12, s6;
	[tilespmem:$0x14020] =	vst v2  }
.Ltmp2:
0xd4: {  	[tilespmem:$0x14030] =	vst v1;
	(pc) =	sbr.rel @p0 .LBB2_1-.Ltmp2, $4  }
0xd5: {  	[hbm4b:s5+s2] =	stream.linear.scatter [tilespmem:s10], [sflag:$0x3], $0x80, $0x38;
	[tilespmem:$0x14080] =	vst v63  }
0xd6: {  	_ =	swait.ge [sflag:s11], $0x80  }
0xd7: {  	[sflag:s11] =	ssyncset.done $0x0  }
0xd8: {  	[sflag:s11] =	ssyncadd.s32 $0xFFFFFF80  }
0xd9: {  	_ =	sfence.sel $0x180000  }
0xda: {  	[bflag:$0x0] =	sbarrier.arrive $0xFFFF  }
0xdb: {  	p0 =	sne.s32 s0, $0x0;
	_ =	strace $0x90000047  }
0xdc: {  	s0 =	sadd.s32 @!p0 $0x100000, s1;
	[bflag:$0x2] =	sbarrier.arrive $0xFFFF  }
0xdd: {  	[sflag:s0] =	ssyncadd.tile.s32 @!p0 $0x1;
	_ =	shalt  }
.Lfunc_end2:
_tile_overlayer_lowered:
.L_overlay_start_2:
0xde: {  	(tag) =	ssettag $0x2  }
0xdf: {  	s0 =	rddreg [dreg:$0x0];
	s2 =	stileid.u32  }
0xe0: {  	s1 =	rddreg [dreg:$0x1];
	p0 =	sne.s32 s2, $0x0  }
0xe1: {  	s3 =	rddreg [dreg:$0x2];
	[bflag:$0x3] =	sbarrier.arrive $0xFFFF;
	s2 =	simm.s32 @!p0 $0x1C03  }
0xe2: {  	[timem:s3], [sflag:s2] =	dma.local @!p0 [hbm:s0], s1  }
0xe3: {  	s0 =	simm.s32 @!p0 $0x3  }
0xe4: {  	_ =	swait.ge @!p0 [sflag:s0], s1  }
0xe5: {  	s1 =	ssub.s32 @!p0 $0x0, s1;
	[sflag:s0] =	ssyncset.done @!p0 $0x0  }
0xe6: {  	[sflag:s0] =	ssyncadd.s32 @!p0 s1  }
0xe7: {  	[bflag:$0x3] =	sbarrier.arrive $0xFFFF  }
0xe8: {  	_ =	shalt  }

</sc_bundles>
